<compile_context>
chip_gen: v7x
topology: tpu7x:2x2x1
jax: 0.10.2.dev20260603
libtpu: 0.0.44.dev20260713+nightly
codegen_flags: <defaults>
</compile_context>

<pallas_src>
import functools

import jax
import jax.numpy as jnp
from jax import lax
from jax.experimental import pallas as pl
from jax.experimental.pallas import tpu as pltpu
from jax.experimental.pallas import tpu_sc as plsc

NUM_SEG = 4096
N_ATOMS = 800000
HID = 64

_GRIDT = 50
_SUB = 125
_K = 5
_CBLK = _GRIDT // _K
_CATOMS = N_ATOMS // _K


def _matvec_body(x_ref, w_ref, o_ref):
    x = x_ref[...]
    w = w_ref[...]
    prod = x * w[None, None, :, :]
    o_ref[...] = jnp.sum(prod, axis=3)


def _matvec_chunk(x4, w_row, k):
    return pl.pallas_call(
        _matvec_body,
        grid=(_CBLK,),
        in_specs=[
            pl.BlockSpec((1, _SUB, 128, HID),
                         lambda i, k=k: (k * _CBLK + i, 0, 0, 0)),
            pl.BlockSpec((1, HID), lambda i: (0, 0)),
        ],
        out_specs=pl.BlockSpec((1, _SUB, 128), lambda i: (i, 0, 0)),
        out_shape=jax.ShapeDtypeStruct((_CBLK, _SUB, 128), jnp.float32),
    )(x4, w_row)


_NW = 32
_CHUNK = _CATOMS // _NW
_VECS = _CHUNK // 16
_TAIL = _CHUNK - _VECS * 16
_CPAD = _CHUNK + (16 - _TAIL) % 16


def _make_segsum_body(k):
    def _segsum_body(r_hbm, ids_hbm, out_hbm, rv, gv, acc):
        nc = plsc.get_sparse_core_info().num_cores
        wid = lax.axis_index("s") * nc + lax.axis_index("c")
        base = wid * _CHUNK
        gbase = k * _CATOMS + wid * _CHUNK
        pltpu.sync_copy(r_hbm.at[pl.ds(base, _CHUNK)], rv.at[pl.ds(0, _CHUNK)])
        pltpu.sync_copy(ids_hbm.at[pl.ds(gbase, _CHUNK)],
                        gv.at[pl.ds(0, _CHUNK)])

        def zero_body(j, _):
            for u in range(8):
                acc[j, pl.ds(u * 16, 16)] = jnp.zeros((16,), jnp.float32)
            return 0

        lax.fori_loop(0, NUM_SEG // 128, zero_body, 0)

        def body(i, _):
            v = rv[pl.ds(i * 16, 16)]
            g = gv[pl.ds(i * 16, 16)]
            plsc.addupdate_scatter(acc, [g >> 7, g & 127], v)
            return 0

        lax.fori_loop(0, _VECS, body, 0)
        if _TAIL:
            v = rv[pl.ds(_VECS * 16, 16)]
            g = gv[pl.ds(_VECS * 16, 16)]
            m = lax.iota(jnp.int32, 16) < _TAIL
            plsc.addupdate_scatter(acc, [g >> 7, g & 127], v, mask=m)
        pltpu.sync_copy(acc, out_hbm.at[wid // 8, :, wid % 8, :])

    return _segsum_body


def _segsum_chunk(r, ids, k):
    f = functools.partial(
        pl.kernel,
        out_type=jax.ShapeDtypeStruct((_NW // 8, NUM_SEG // 128, 8, 128),
                                      jnp.float32),
        mesh=plsc.VectorSubcoreMesh(core_axis_name="c", subcore_axis_name="s"),
        scratch_types=[
            pltpu.VMEM((_CPAD,), jnp.float32),
            pltpu.VMEM((_CPAD,), jnp.int32),
            pltpu.VMEM((NUM_SEG // 128, 128), jnp.float32),
        ],
        compiler_params=pltpu.CompilerParams(needs_layout_passes=False),
    )(_make_segsum_body(k))
    return f(r, ids)


def _combine_body(*refs):
    p_refs, b_ref, o_ref = refs[:_K], refs[_K], refs[_K + 1]
    p = p_refs[0][...]
    for pr in p_refs[1:]:
        p = p + pr[...]
    s = jnp.sum(p, axis=(0, 2))
    o_ref[...] = s + b_ref[0]


def _combine(partials, b):
    return pl.pallas_call(
        _combine_body,
        in_specs=[pl.BlockSpec(memory_space=pltpu.VMEM)] * _K
        + [pl.BlockSpec(memory_space=pltpu.SMEM)],
        out_specs=pl.BlockSpec(memory_space=pltpu.VMEM),
        out_shape=jax.ShapeDtypeStruct((NUM_SEG // 128, 128), jnp.float32),
    )(*partials, b)


def kernel(atom_feats, segment_ids, W, b):
    x4 = atom_feats.reshape(_GRIDT, _SUB, 128, HID)
    w_row = W.reshape(1, HID)
    ids = segment_ids.astype(jnp.int32)
    partials = []
    for k in range(_K):
        r_k = _matvec_chunk(x4, w_row, k).reshape(_CATOMS)
        partials.append(_segsum_chunk(r_k, ids, k))
    return _combine(partials, b).reshape(NUM_SEG, 1)

# --- scband reference (transcript-rebuilt; emitter-appended) ---
"""Pipeline reference for scband-abstract-encoder-86114094284931 (READ-ONLY COPY).

The authoritative reference and input builder live on the scoring server;
editing this copy changes nothing except your own understanding.
"""

import jax, jax.numpy as jnp
import numpy as np

NUM_SEGMENTS = 4096
N_ATOMS = 800000
HIDDEN_DIM = 64
OUTPUT_DIM = 1


def setup_inputs(seed: int = 0) -> dict:
    key = jax.random.key(seed)
    k1, k2, k3 = jax.random.split(key, 3)
    atom_feats = jax.random.normal(k1, (N_ATOMS, HIDDEN_DIM), dtype=jnp.float32)
    segment_ids = jnp.sort(jax.random.randint(k2, (N_ATOMS,), 0, NUM_SEGMENTS, dtype=jnp.int64))
    # output_mlp: num_output_layers=0 -> single Linear(hidden_dim, 1) per output;
    # output_dim=1 so mlp_per_output collapses to one head.
    W = jax.random.normal(k3, (HIDDEN_DIM, OUTPUT_DIM), dtype=jnp.float32) * (1.0 / np.sqrt(HIDDEN_DIM))
    b = jnp.zeros((OUTPUT_DIM,), dtype=jnp.float32)
    return {"atom_feats": atom_feats, "segment_ids": segment_ids, "W": W, "b": b}


def reference(atom_feats, segment_ids, W, b):
    # AbstractEncoder.forward with _forward = identity (atom features precomputed):
    # pool_before_output=True -> global_add_pool(atom_feats, batch) then output MLP.
    pooled = jax.ops.segment_sum(atom_feats, segment_ids, num_segments=NUM_SEGMENTS)
    out = pooled @ W + b
    return out

if __name__ == "__main__":
    import jax
    _d = setup_inputs()
    print(jax.jit(kernel)(*tuple(_d.values())))

</pallas_src>

<mosaic_0001>
#map = affine_map<(d0, d1) -> (0)>
#map1 = affine_map<(d0, d1) -> (0, 0, 0, 0)>
module attributes {stable_mosaic.version = 14 : i64} {
  func.func @_segsum_body(%arg0: i32, %arg1: i32, %arg2: memref<160000xf32, #tpu.memory_space<hbm>>, %arg3: memref<800000xi32, #tpu.memory_space<hbm>>, %arg4: memref<4x32x8x128xf32, #tpu.memory_space<hbm>>, %arg5: memref<5008xf32, #tpu.memory_space<vmem>>, %arg6: memref<5008xi32, #tpu.memory_space<vmem>>, %arg7: memref<32x128xf32, #tpu.memory_space<vmem>>) attributes {dimension_semantics = [#tpu.dimension_semantics<core_parallel>, #tpu.dimension_semantics<subcore_parallel>], iteration_bounds = array<i64: 2, 16>, scalar_prefetch = 0 : i64, scratch_operands = 3 : i64, tpu.core_type = #tpu.core_type<sc_vector_subcore>, window_params = [{transform_indices = #map}, {transform_indices = #map}, {transform_indices = #map1}]} {
    %mul3A = arith.constant 2 : i32
    %mul3A_0 = arith.muli %arg1, %mul3A : i32
    %add3A = arith.addi %mul3A_0, %arg0 : i32
    %mul3A_1 = arith.constant 5000 : i32
    %mul3A_2 = arith.muli %add3A, %mul3A_1 : i32
    %mul3A_3 = arith.constant 5000 : i32
    %mul3A_4 = arith.muli %add3A, %mul3A_3 : i32
    %add3A_5 = arith.constant 160000 : i32
    %add3A_6 = arith.addi %add3A_5, %mul3A_4 : i32
    "tpu.region"() ({
      %run_scoped3A = tpu.sem_alloc : memref<!tpu.dma_semaphore, #tpu.memory_space<semaphore_mem>>
      %dma_start3A = arith.constant 0 : i32
      %dma_start3A_61 = tpu.memref_slice %arg5[%dma_start3A] : memref<5008xf32, #tpu.memory_space<vmem>> -> memref<5000xf32, #tpu.memory_space<vmem>>
      %dma_start3A_62 = tpu.memref_slice %arg2[%mul3A_2] : memref<160000xf32, #tpu.memory_space<hbm>> -> memref<5000xf32, #tpu.memory_space<hbm>>
      %dma_start3A_63 = arith.constant 0 : i32
      %dma_start3A_64 = tpu.memref_slice %arg5[%dma_start3A_63] : memref<5008xf32, #tpu.memory_space<vmem>> -> memref<5000xf32, #tpu.memory_space<vmem>>
      %dma_start3A_65 = tpu.memref_slice %arg2[%mul3A_2] : memref<160000xf32, #tpu.memory_space<hbm>> -> memref<5000xf32, #tpu.memory_space<hbm>>
      tpu.enqueue_dma source(%dma_start3A_65 : memref<5000xf32, #tpu.memory_space<hbm>>) target(%dma_start3A_64 : memref<5000xf32, #tpu.memory_space<vmem>>) target_semaphore(%run_scoped3A : memref<!tpu.dma_semaphore, #tpu.memory_space<semaphore_mem>>)
      %dma_wait3A = arith.constant 0 : i32
      %dma_wait3A_66 = tpu.memref_slice %arg5[%dma_wait3A] : memref<5008xf32, #tpu.memory_space<vmem>> -> memref<5000xf32, #tpu.memory_space<vmem>>
      %dma_wait3A_67 = tpu.memref_slice %arg2[%mul3A_2] : memref<160000xf32, #tpu.memory_space<hbm>> -> memref<5000xf32, #tpu.memory_space<hbm>>
      %dma_wait3A_68 = arith.constant 0 : i32
      %dma_wait3A_69 = tpu.memref_slice %arg5[%dma_wait3A_68] : memref<5008xf32, #tpu.memory_space<vmem>> -> memref<5000xf32, #tpu.memory_space<vmem>>
      %dma_wait3A_70 = tpu.memref_slice %arg2[%mul3A_2] : memref<160000xf32, #tpu.memory_space<hbm>> -> memref<5000xf32, #tpu.memory_space<hbm>>
      tpu.wait_dma2 semaphore(%run_scoped3A : memref<!tpu.dma_semaphore, #tpu.memory_space<semaphore_mem>>) src(%dma_wait3A_70 : memref<5000xf32, #tpu.memory_space<hbm>>) dst(%dma_wait3A_69 : memref<5000xf32, #tpu.memory_space<vmem>>)
      tpu.yield
    }) : () -> ()
    "tpu.region"() ({
      %run_scoped3A = tpu.sem_alloc : memref<!tpu.dma_semaphore, #tpu.memory_space<semaphore_mem>>
      %dma_start3A = arith.constant 0 : i32
      %dma_start3A_61 = tpu.memref_slice %arg6[%dma_start3A] : memref<5008xi32, #tpu.memory_space<vmem>> -> memref<5000xi32, #tpu.memory_space<vmem>>
      %dma_start3A_62 = tpu.memref_slice %arg3[%add3A_6] : memref<800000xi32, #tpu.memory_space<hbm>> -> memref<5000xi32, #tpu.memory_space<hbm>>
      %dma_start3A_63 = arith.constant 0 : i32
      %dma_start3A_64 = tpu.memref_slice %arg6[%dma_start3A_63] : memref<5008xi32, #tpu.memory_space<vmem>> -> memref<5000xi32, #tpu.memory_space<vmem>>
      %dma_start3A_65 = tpu.memref_slice %arg3[%add3A_6] : memref<800000xi32, #tpu.memory_space<hbm>> -> memref<5000xi32, #tpu.memory_space<hbm>>
      tpu.enqueue_dma source(%dma_start3A_65 : memref<5000xi32, #tpu.memory_space<hbm>>) target(%dma_start3A_64 : memref<5000xi32, #tpu.memory_space<vmem>>) target_semaphore(%run_scoped3A : memref<!tpu.dma_semaphore, #tpu.memory_space<semaphore_mem>>)
      %dma_wait3A = arith.constant 0 : i32
      %dma_wait3A_66 = tpu.memref_slice %arg6[%dma_wait3A] : memref<5008xi32, #tpu.memory_space<vmem>> -> memref<5000xi32, #tpu.memory_space<vmem>>
      %dma_wait3A_67 = tpu.memref_slice %arg3[%add3A_6] : memref<800000xi32, #tpu.memory_space<hbm>> -> memref<5000xi32, #tpu.memory_space<hbm>>
      %dma_wait3A_68 = arith.constant 0 : i32
      %dma_wait3A_69 = tpu.memref_slice %arg6[%dma_wait3A_68] : memref<5008xi32, #tpu.memory_space<vmem>> -> memref<5000xi32, #tpu.memory_space<vmem>>
      %dma_wait3A_70 = tpu.memref_slice %arg3[%add3A_6] : memref<800000xi32, #tpu.memory_space<hbm>> -> memref<5000xi32, #tpu.memory_space<hbm>>
      tpu.wait_dma2 semaphore(%run_scoped3A : memref<!tpu.dma_semaphore, #tpu.memory_space<semaphore_mem>>) src(%dma_wait3A_70 : memref<5000xi32, #tpu.memory_space<hbm>>) dst(%dma_wait3A_69 : memref<5000xi32, #tpu.memory_space<vmem>>)
      tpu.yield
    }) : () -> ()
    %scan3A = arith.constant 0 : i32
    %scan3A_7 = arith.constant 0 : i32
    %scan3A_8 = arith.constant 32 : i32
    %scan3A_9 = arith.addi %scan3A_7, %scan3A_8 : i32
    %scan3A_10 = arith.constant 1 : i32
    %scan3A_11 = scf.for %scan3A_61 = %scan3A_7 to %scan3A_9 step %scan3A_10 iter_args(%scan3A_62 = %scan3A) -> (i32)  : i32 {
      %broadcast_in_dim3A = arith.constant 0.000000e+00 : f32
      %broadcast_in_dim3A_63 = vector.broadcast %broadcast_in_dim3A : f32 to vector<16xf32>
      %swap3A = arith.index_cast %scan3A_61 : i32 to index
      %swap3A_64 = arith.constant 0 : index
      %swap3A_65 = tpu.vector_load %arg7[%swap3A, %swap3A_64] {strides = array<i32>} : memref<32x128xf32, #tpu.memory_space<vmem>>, vector<16xf32>,
      tpu.vector_store %arg7[%swap3A, %swap3A_64], %broadcast_in_dim3A_63 {strides = array<i32>} : memref<32x128xf32, #tpu.memory_space<vmem>>, vector<16xf32>,
      %broadcast_in_dim3A_66 = arith.constant 0.000000e+00 : f32
      %broadcast_in_dim3A_67 = vector.broadcast %broadcast_in_dim3A_66 : f32 to vector<16xf32>
      %swap3A_68 = arith.index_cast %scan3A_61 : i32 to index
      %swap3A_69 = arith.constant 16 : index
      %swap3A_70 = tpu.vector_load %arg7[%swap3A_68, %swap3A_69] {strides = array<i32>} : memref<32x128xf32, #tpu.memory_space<vmem>>, vector<16xf32>,
      tpu.vector_store %arg7[%swap3A_68, %swap3A_69], %broadcast_in_dim3A_67 {strides = array<i32>} : memref<32x128xf32, #tpu.memory_space<vmem>>, vector<16xf32>,
      %broadcast_in_dim3A_71 = arith.constant 0.000000e+00 : f32
      %broadcast_in_dim3A_72 = vector.broadcast %broadcast_in_dim3A_71 : f32 to vector<16xf32>
      %swap3A_73 = arith.index_cast %scan3A_61 : i32 to index
      %swap3A_74 = arith.constant 32 : index
      %swap3A_75 = tpu.vector_load %arg7[%swap3A_73, %swap3A_74] {strides = array<i32>} : memref<32x128xf32, #tpu.memory_space<vmem>>, vector<16xf32>,
      tpu.vector_store %arg7[%swap3A_73, %swap3A_74], %broadcast_in_dim3A_72 {strides = array<i32>} : memref<32x128xf32, #tpu.memory_space<vmem>>, vector<16xf32>,
      %broadcast_in_dim3A_76 = arith.constant 0.000000e+00 : f32
      %broadcast_in_dim3A_77 = vector.broadcast %broadcast_in_dim3A_76 : f32 to vector<16xf32>
      %swap3A_78 = arith.index_cast %scan3A_61 : i32 to index
      %swap3A_79 = arith.constant 48 : index
      %swap3A_80 = tpu.vector_load %arg7[%swap3A_78, %swap3A_79] {strides = array<i32>} : memref<32x128xf32, #tpu.memory_space<vmem>>, vector<16xf32>,
      tpu.vector_store %arg7[%swap3A_78, %swap3A_79], %broadcast_in_dim3A_77 {strides = array<i32>} : memref<32x128xf32, #tpu.memory_space<vmem>>, vector<16xf32>,
      %broadcast_in_dim3A_81 = arith.constant 0.000000e+00 : f32
      %broadcast_in_dim3A_82 = vector.broadcast %broadcast_in_dim3A_81 : f32 to vector<16xf32>
      %swap3A_83 = arith.index_cast %scan3A_61 : i32 to index
      %swap3A_84 = arith.constant 64 : index
      %swap3A_85 = tpu.vector_load %arg7[%swap3A_83, %swap3A_84] {strides = array<i32>} : memref<32x128xf32, #tpu.memory_space<vmem>>, vector<16xf32>,
      tpu.vector_store %arg7[%swap3A_83, %swap3A_84], %broadcast_in_dim3A_82 {strides = array<i32>} : memref<32x128xf32, #tpu.memory_space<vmem>>, vector<16xf32>,
      %broadcast_in_dim3A_86 = arith.constant 0.000000e+00 : f32
      %broadcast_in_dim3A_87 = vector.broadcast %broadcast_in_dim3A_86 : f32 to vector<16xf32>
      %swap3A_88 = arith.index_cast %scan3A_61 : i32 to index
      %swap3A_89 = arith.constant 80 : index
      %swap3A_90 = tpu.vector_load %arg7[%swap3A_88, %swap3A_89] {strides = array<i32>} : memref<32x128xf32, #tpu.memory_space<vmem>>, vector<16xf32>,
      tpu.vector_store %arg7[%swap3A_88, %swap3A_89], %broadcast_in_dim3A_87 {strides = array<i32>} : memref<32x128xf32, #tpu.memory_space<vmem>>, vector<16xf32>,
      %broadcast_in_dim3A_91 = arith.constant 0.000000e+00 : f32
      %broadcast_in_dim3A_92 = vector.broadcast %broadcast_in_dim3A_91 : f32 to vector<16xf32>
      %swap3A_93 = arith.index_cast %scan3A_61 : i32 to index
      %swap3A_94 = arith.constant 96 : index
      %swap3A_95 = tpu.vector_load %arg7[%swap3A_93, %swap3A_94] {strides = array<i32>} : memref<32x128xf32, #tpu.memory_space<vmem>>, vector<16xf32>,
      tpu.vector_store %arg7[%swap3A_93, %swap3A_94], %broadcast_in_dim3A_92 {strides = array<i32>} : memref<32x128xf32, #tpu.memory_space<vmem>>, vector<16xf32>,
      %broadcast_in_dim3A_96 = arith.constant 0.000000e+00 : f32
      %broadcast_in_dim3A_97 = vector.broadcast %broadcast_in_dim3A_96 : f32 to vector<16xf32>
      %swap3A_98 = arith.index_cast %scan3A_61 : i32 to index
      %swap3A_99 = arith.constant 112 : index
      %swap3A_100 = tpu.vector_load %arg7[%swap3A_98, %swap3A_99] {strides = array<i32>} : memref<32x128xf32, #tpu.memory_space<vmem>>, vector<16xf32>,
      tpu.vector_store %arg7[%swap3A_98, %swap3A_99], %broadcast_in_dim3A_97 {strides = array<i32>} : memref<32x128xf32, #tpu.memory_space<vmem>>, vector<16xf32>,
      %scan3A_101 = arith.constant 0 : i32
      scf.yield %scan3A_101 : i32
    }
    %scan3A_12 = arith.constant 32 : i32
    %scan3A_13 = arith.constant 0 : i32
    %scan3A_14 = arith.constant 0 : i32
    %scan3A_15 = arith.constant 312 : i32
    %scan3A_16 = arith.addi %scan3A_14, %scan3A_15 : i32
    %scan3A_17 = arith.constant 1 : i32
    %scan3A_18 = scf.for %scan3A_61 = %scan3A_14 to %scan3A_16 step %scan3A_17 iter_args(%scan3A_62 = %scan3A_13) -> (i32)  : i32 {
      %mul3A_63 = arith.constant 16 : i32
      %mul3A_64 = arith.muli %scan3A_61, %mul3A_63 : i32
      %get3A_65 = arith.index_cast %mul3A_64 : i32 to index
      %get3A_66 = tpu.vector_load %arg5[%get3A_65] {strides = array<i32>} : memref<5008xf32, #tpu.memory_space<vmem>>, vector<16xf32>,
      %mul3A_67 = arith.constant 16 : i32
      %mul3A_68 = arith.muli %scan3A_61, %mul3A_67 : i32
      %get3A_69 = arith.index_cast %mul3A_68 : i32 to index
      %get3A_70 = tpu.vector_load %arg6[%get3A_69] {strides = array<i32>} : memref<5008xi32, #tpu.memory_space<vmem>>, vector<16xi32>,
      %shift_right_arithmetic3A_71 = arith.constant 7 : i32
      %shift_right_arithmetic3A_72 = vector.broadcast %shift_right_arithmetic3A_71 : i32 to vector<16xi32>
      %shift_right_arithmetic3A_73 = arith.shrsi %get3A_70, %shift_right_arithmetic3A_72 : vector<16xi32>
      %and3A_74 = arith.constant 127 : i32
      %and3A_75 = vector.broadcast %and3A_74 : i32 to vector<16xi32>
      %and3A_76 = arith.andi %get3A_70, %and3A_75 : vector<16xi32>
      tpu.vector_store_idx %arg7[%shift_right_arithmetic3A_73, %and3A_76], %get3A_66 {add = true} : memref<32x128xf32, #tpu.memory_space<vmem>>[vector<16xi32>, vector<16xi32>], vector<16xf32>,
      %scan3A_77 = arith.constant 0 : i32
      scf.yield %scan3A_77 : i32
    }
    %scan3A_19 = arith.constant 312 : i32
    %get3A = arith.constant 4992 : index
    %get3A_20 = tpu.vector_load %arg5[%get3A] {strides = array<i32>} : memref<5008xf32, #tpu.memory_space<vmem>>, vector<16xf32>,
    %get3A_21 = arith.constant 4992 : index
    %get3A_22 = tpu.vector_load %arg6[%get3A_21] {strides = array<i32>} : memref<5008xi32, #tpu.memory_space<vmem>>, vector<16xi32>,
    %iota3A = tpu.iota {dimensions = array<i32: 0>} : vector<16xi32>
    %lt3A = arith.constant 8 : i32
    %lt3A_23 = vector.broadcast %lt3A : i32 to vector<16xi32>
    %lt3A_24 = arith.cmpi slt, %iota3A, %lt3A_23 : vector<16xi32>
    %shift_right_arithmetic3A = arith.constant 7 : i32
    %shift_right_arithmetic3A_25 = vector.broadcast %shift_right_arithmetic3A : i32 to vector<16xi32>
    %shift_right_arithmetic3A_26 = arith.shrsi %get3A_22, %shift_right_arithmetic3A_25 : vector<16xi32>
    %and3A = arith.constant 127 : i32
    %and3A_27 = vector.broadcast %and3A : i32 to vector<16xi32>
    %and3A_28 = arith.andi %get3A_22, %and3A_27 : vector<16xi32>
    tpu.vector_store_idx %arg7[%shift_right_arithmetic3A_26, %and3A_28], %get3A_20 masked %lt3A_24 {add = true} : memref<32x128xf32, #tpu.memory_space<vmem>>[vector<16xi32>, vector<16xi32>], vector<16xf32>, vector<16xi1>
    %jit3A = arith.constant 8 : i32
    %div3A = arith.divsi %add3A, %jit3A : i32
    %sign3A = arith.constant 0 : i32
    %sign3A_29 = arith.cmpi sgt, %add3A, %sign3A : i32
    %sign3A_30 = arith.extui %sign3A_29 : i1 to i32
    %sign3A_31 = arith.constant 0 : i32
    %sign3A_32 = arith.cmpi slt, %add3A, %sign3A_31 : i32
    %sign3A_33 = arith.extui %sign3A_32 : i1 to i32
    %sign3A_34 = arith.subi %sign3A_30, %sign3A_33 : i32
    %sign3A_35 = arith.constant 0 : i32
    %sign3A_36 = arith.cmpi sgt, %jit3A, %sign3A_35 : i32
    %sign3A_37 = arith.extui %sign3A_36 : i1 to i32
    %sign3A_38 = arith.constant 0 : i32
    %sign3A_39 = arith.cmpi slt, %jit3A, %sign3A_38 : i32
    %sign3A_40 = arith.extui %sign3A_39 : i1 to i32
    %sign3A_41 = arith.subi %sign3A_37, %sign3A_40 : i32
    %ne3A = arith.cmpi ne, %sign3A_34, %sign3A_41 : i32
    %rem3A = arith.remsi %add3A, %jit3A : i32
    %ne3A_42 = arith.constant 0 : i32
    %ne3A_43 = arith.cmpi ne, %rem3A, %ne3A_42 : i32
    %and3A_44 = arith.andi %ne3A, %ne3A_43 : i1
    %sub3A = arith.constant 1 : i32
    %sub3A_45 = arith.subi %div3A, %sub3A : i32
    %select_n3A = arith.select %and3A_44, %sub3A_45, %div3A : i32
    %jit3A_46 = arith.constant 8 : i32
    %eq3A = arith.constant 0 : i32
    %eq3A_47 = arith.cmpi eq, %jit3A_46, %eq3A : i32
    %jit3A_48 = arith.constant 1 : i32
    %select_n3A_49 = arith.select %eq3A_47, %jit3A_48, %jit3A_46 : i32
    %rem3A_50 = arith.remsi %add3A, %select_n3A_49 : i32
    %ne3A_51 = arith.constant 0 : i32
    %ne3A_52 = arith.cmpi ne, %rem3A_50, %ne3A_51 : i32
    %lt3A_53 = arith.constant 0 : i32
    %lt3A_54 = arith.cmpi slt, %rem3A_50, %lt3A_53 : i32
    %lt3A_55 = arith.constant 0 : i32
    %lt3A_56 = arith.cmpi slt, %select_n3A_49, %lt3A_55 : i32
    %ne3A_57 = arith.xori %lt3A_54, %lt3A_56 : i1
    %and3A_58 = arith.andi %ne3A_57, %ne3A_52 : i1
    %add3A_59 = arith.addi %rem3A_50, %select_n3A_49 : i32
    %select_n3A_60 = arith.select %and3A_58, %add3A_59, %rem3A_50 : i32
    "tpu.region"() ({
      %run_scoped3A = tpu.sem_alloc : memref<!tpu.dma_semaphore, #tpu.memory_space<semaphore_mem>>
      %dma_start3A = arith.constant 0 : i32
      %dma_start3A_61 = arith.constant 0 : i32
      %dma_start3A_62 = tpu.memref_slice %arg4[%select_n3A, %dma_start3A, %select_n3A_60, %dma_start3A_61] : memref<4x32x8x128xf32, #tpu.memory_space<hbm>> -> memref<1x32x1x128xf32, #tpu.memory_space<hbm>>
      %dma_start3A_63 = tpu.memref_squeeze %dma_start3A_62 : memref<1x32x1x128xf32, #tpu.memory_space<hbm>> -> memref<32x128xf32, #tpu.memory_space<hbm>>
      %dma_start3A_64 = arith.constant 0 : i32
      %dma_start3A_65 = arith.constant 0 : i32
      %dma_start3A_66 = tpu.memref_slice %arg4[%select_n3A, %dma_start3A_64, %select_n3A_60, %dma_start3A_65] : memref<4x32x8x128xf32, #tpu.memory_space<hbm>> -> memref<1x32x1x128xf32, #tpu.memory_space<hbm>>
      %dma_start3A_67 = tpu.memref_squeeze %dma_start3A_66 : memref<1x32x1x128xf32, #tpu.memory_space<hbm>> -> memref<32x128xf32, #tpu.memory_space<hbm>>
      tpu.enqueue_dma source(%arg7 : memref<32x128xf32, #tpu.memory_space<vmem>>) target(%dma_start3A_67 : memref<32x128xf32, #tpu.memory_space<hbm>>) target_semaphore(%run_scoped3A : memref<!tpu.dma_semaphore, #tpu.memory_space<semaphore_mem>>)
      %dma_wait3A = arith.constant 0 : i32
      %dma_wait3A_68 = arith.constant 0 : i32
      %dma_wait3A_69 = tpu.memref_slice %arg4[%select_n3A, %dma_wait3A, %select_n3A_60, %dma_wait3A_68] : memref<4x32x8x128xf32, #tpu.memory_space<hbm>> -> memref<1x32x1x128xf32, #tpu.memory_space<hbm>>
      %dma_wait3A_70 = tpu.memref_squeeze %dma_wait3A_69 : memref<1x32x1x128xf32, #tpu.memory_space<hbm>> -> memref<32x128xf32, #tpu.memory_space<hbm>>
      %dma_wait3A_71 = arith.constant 0 : i32
      %dma_wait3A_72 = arith.constant 0 : i32
      %dma_wait3A_73 = tpu.memref_slice %arg4[%select_n3A, %dma_wait3A_71, %select_n3A_60, %dma_wait3A_72] : memref<4x32x8x128xf32, #tpu.memory_space<hbm>> -> memref<1x32x1x128xf32, #tpu.memory_space<hbm>>
      %dma_wait3A_74 = tpu.memref_squeeze %dma_wait3A_73 : memref<1x32x1x128xf32, #tpu.memory_space<hbm>> -> memref<32x128xf32, #tpu.memory_space<hbm>>
      tpu.wait_dma2 semaphore(%run_scoped3A : memref<!tpu.dma_semaphore, #tpu.memory_space<semaphore_mem>>) src(%arg7 : memref<32x128xf32, #tpu.memory_space<vmem>>) dst(%dma_wait3A_74 : memref<32x128xf32, #tpu.memory_space<hbm>>)
      tpu.yield
    }) : () -> ()
    return
  }
}

#map = affine_map<(d0, d1) -> (0)>
#map1 = affine_map<(d0, d1) -> (0, 0, 0, 0)>
module attributes {stable_mosaic.version = 14 : i64} {
  func.func @_segsum_body(%arg0: i32, %arg1: i32, %arg2: memref<160000xf32, #tpu.memory_space<hbm>>, %arg3: memref<800000xi32, #tpu.memory_space<hbm>>, %arg4: memref<4x32x8x128xf32, #tpu.memory_space<hbm>>, %arg5: memref<5008xf32, #tpu.memory_space<vmem>>, %arg6: memref<5008xi32, #tpu.memory_space<vmem>>, %arg7: memref<32x128xf32, #tpu.memory_space<vmem>>) attributes {dimension_semantics = [#tpu.dimension_semantics<core_parallel>, #tpu.dimension_semantics<subcore_parallel>], iteration_bounds = array<i64: 2, 16>, scalar_prefetch = 0 : i64, scratch_operands = 3 : i64, tpu.core_type = #tpu.core_type<sc_vector_subcore>, window_params = [{transform_indices = #map}, {transform_indices = #map}, {transform_indices = #map1}]} {
    %mul3A = arith.constant 2 : i32
    %mul3A_0 = arith.muli %arg1, %mul3A : i32
    %add3A = arith.addi %mul3A_0, %arg0 : i32
    %mul3A_1 = arith.constant 5000 : i32
    %mul3A_2 = arith.muli %add3A, %mul3A_1 : i32
    %mul3A_3 = arith.constant 5000 : i32
    %mul3A_4 = arith.muli %add3A, %mul3A_3 : i32
    %add3A_5 = arith.constant 0 : i32
    %add3A_6 = arith.addi %add3A_5, %mul3A_4 : i32
    "tpu.region"() ({
      %run_scoped3A = tpu.sem_alloc : memref<!tpu.dma_semaphore, #tpu.memory_space<semaphore_mem>>
      %dma_start3A = arith.constant 0 : i32
      %dma_start3A_61 = tpu.memref_slice %arg5[%dma_start3A] : memref<5008xf32, #tpu.memory_space<vmem>> -> memref<5000xf32, #tpu.memory_space<vmem>>
      %dma_start3A_62 = tpu.memref_slice %arg2[%mul3A_2] : memref<160000xf32, #tpu.memory_space<hbm>> -> memref<5000xf32, #tpu.memory_space<hbm>>
      %dma_start3A_63 = arith.constant 0 : i32
      %dma_start3A_64 = tpu.memref_slice %arg5[%dma_start3A_63] : memref<5008xf32, #tpu.memory_space<vmem>> -> memref<5000xf32, #tpu.memory_space<vmem>>
      %dma_start3A_65 = tpu.memref_slice %arg2[%mul3A_2] : memref<160000xf32, #tpu.memory_space<hbm>> -> memref<5000xf32, #tpu.memory_space<hbm>>
      tpu.enqueue_dma source(%dma_start3A_65 : memref<5000xf32, #tpu.memory_space<hbm>>) target(%dma_start3A_64 : memref<5000xf32, #tpu.memory_space<vmem>>) target_semaphore(%run_scoped3A : memref<!tpu.dma_semaphore, #tpu.memory_space<semaphore_mem>>)
      %dma_wait3A = arith.constant 0 : i32
      %dma_wait3A_66 = tpu.memref_slice %arg5[%dma_wait3A] : memref<5008xf32, #tpu.memory_space<vmem>> -> memref<5000xf32, #tpu.memory_space<vmem>>
      %dma_wait3A_67 = tpu.memref_slice %arg2[%mul3A_2] : memref<160000xf32, #tpu.memory_space<hbm>> -> memref<5000xf32, #tpu.memory_space<hbm>>
      %dma_wait3A_68 = arith.constant 0 : i32
      %dma_wait3A_69 = tpu.memref_slice %arg5[%dma_wait3A_68] : memref<5008xf32, #tpu.memory_space<vmem>> -> memref<5000xf32, #tpu.memory_space<vmem>>
      %dma_wait3A_70 = tpu.memref_slice %arg2[%mul3A_2] : memref<160000xf32, #tpu.memory_space<hbm>> -> memref<5000xf32, #tpu.memory_space<hbm>>
      tpu.wait_dma2 semaphore(%run_scoped3A : memref<!tpu.dma_semaphore, #tpu.memory_space<semaphore_mem>>) src(%dma_wait3A_70 : memref<5000xf32, #tpu.memory_space<hbm>>) dst(%dma_wait3A_69 : memref<5000xf32, #tpu.memory_space<vmem>>)
      tpu.yield
    }) : () -> ()
    "tpu.region"() ({
      %run_scoped3A = tpu.sem_alloc : memref<!tpu.dma_semaphore, #tpu.memory_space<semaphore_mem>>
      %dma_start3A = arith.constant 0 : i32
      %dma_start3A_61 = tpu.memref_slice %arg6[%dma_start3A] : memref<5008xi32, #tpu.memory_space<vmem>> -> memref<5000xi32, #tpu.memory_space<vmem>>
      %dma_start3A_62 = tpu.memref_slice %arg3[%add3A_6] : memref<800000xi32, #tpu.memory_space<hbm>> -> memref<5000xi32, #tpu.memory_space<hbm>>
      %dma_start3A_63 = arith.constant 0 : i32
      %dma_start3A_64 = tpu.memref_slice %arg6[%dma_start3A_63] : memref<5008xi32, #tpu.memory_space<vmem>> -> memref<5000xi32, #tpu.memory_space<vmem>>
      %dma_start3A_65 = tpu.memref_slice %arg3[%add3A_6] : memref<800000xi32, #tpu.memory_space<hbm>> -> memref<5000xi32, #tpu.memory_space<hbm>>
      tpu.enqueue_dma source(%dma_start3A_65 : memref<5000xi32, #tpu.memory_space<hbm>>) target(%dma_start3A_64 : memref<5000xi32, #tpu.memory_space<vmem>>) target_semaphore(%run_scoped3A : memref<!tpu.dma_semaphore, #tpu.memory_space<semaphore_mem>>)
      %dma_wait3A = arith.constant 0 : i32
      %dma_wait3A_66 = tpu.memref_slice %arg6[%dma_wait3A] : memref<5008xi32, #tpu.memory_space<vmem>> -> memref<5000xi32, #tpu.memory_space<vmem>>
      %dma_wait3A_67 = tpu.memref_slice %arg3[%add3A_6] : memref<800000xi32, #tpu.memory_space<hbm>> -> memref<5000xi32, #tpu.memory_space<hbm>>
      %dma_wait3A_68 = arith.constant 0 : i32
      %dma_wait3A_69 = tpu.memref_slice %arg6[%dma_wait3A_68] : memref<5008xi32, #tpu.memory_space<vmem>> -> memref<5000xi32, #tpu.memory_space<vmem>>
      %dma_wait3A_70 = tpu.memref_slice %arg3[%add3A_6] : memref<800000xi32, #tpu.memory_space<hbm>> -> memref<5000xi32, #tpu.memory_space<hbm>>
      tpu.wait_dma2 semaphore(%run_scoped3A : memref<!tpu.dma_semaphore, #tpu.memory_space<semaphore_mem>>) src(%dma_wait3A_70 : memref<5000xi32, #tpu.memory_space<hbm>>) dst(%dma_wait3A_69 : memref<5000xi32, #tpu.memory_space<vmem>>)
      tpu.yield
    }) : () -> ()
    %scan3A = arith.constant 0 : i32
    %scan3A_7 = arith.constant 0 : i32
    %scan3A_8 = arith.constant 32 : i32
    %scan3A_9 = arith.addi %scan3A_7, %scan3A_8 : i32
    %scan3A_10 = arith.constant 1 : i32
    %scan3A_11 = scf.for %scan3A_61 = %scan3A_7 to %scan3A_9 step %scan3A_10 iter_args(%scan3A_62 = %scan3A) -> (i32)  : i32 {
      %broadcast_in_dim3A = arith.constant 0.000000e+00 : f32
      %broadcast_in_dim3A_63 = vector.broadcast %broadcast_in_dim3A : f32 to vector<16xf32>
      %swap3A = arith.index_cast %scan3A_61 : i32 to index
      %swap3A_64 = arith.constant 0 : index
      %swap3A_65 = tpu.vector_load %arg7[%swap3A, %swap3A_64] {strides = array<i32>} : memref<32x128xf32, #tpu.memory_space<vmem>>, vector<16xf32>,
      tpu.vector_store %arg7[%swap3A, %swap3A_64], %broadcast_in_dim3A_63 {strides = array<i32>} : memref<32x128xf32, #tpu.memory_space<vmem>>, vector<16xf32>,
      %broadcast_in_dim3A_66 = arith.constant 0.000000e+00 : f32
      %broadcast_in_dim3A_67 = vector.broadcast %broadcast_in_dim3A_66 : f32 to vector<16xf32>
      %swap3A_68 = arith.index_cast %scan3A_61 : i32 to index
      %swap3A_69 = arith.constant 16 : index
      %swap3A_70 = tpu.vector_load %arg7[%swap3A_68, %swap3A_69] {strides = array<i32>} : memref<32x128xf32, #tpu.memory_space<vmem>>, vector<16xf32>,
      tpu.vector_store %arg7[%swap3A_68, %swap3A_69], %broadcast_in_dim3A_67 {strides = array<i32>} : memref<32x128xf32, #tpu.memory_space<vmem>>, vector<16xf32>,
      %broadcast_in_dim3A_71 = arith.constant 0.000000e+00 : f32
      %broadcast_in_dim3A_72 = vector.broadcast %broadcast_in_dim3A_71 : f32 to vector<16xf32>
      %swap3A_73 = arith.index_cast %scan3A_61 : i32 to index
      %swap3A_74 = arith.constant 32 : index
      %swap3A_75 = tpu.vector_load %arg7[%swap3A_73, %swap3A_74] {strides = array<i32>} : memref<32x128xf32, #tpu.memory_space<vmem>>, vector<16xf32>,
      tpu.vector_store %arg7[%swap3A_73, %swap3A_74], %broadcast_in_dim3A_72 {strides = array<i32>} : memref<32x128xf32, #tpu.memory_space<vmem>>, vector<16xf32>,
      %broadcast_in_dim3A_76 = arith.constant 0.000000e+00 : f32
      %broadcast_in_dim3A_77 = vector.broadcast %broadcast_in_dim3A_76 : f32 to vector<16xf32>
      %swap3A_78 = arith.index_cast %scan3A_61 : i32 to index
      %swap3A_79 = arith.constant 48 : index
      %swap3A_80 = tpu.vector_load %arg7[%swap3A_78, %swap3A_79] {strides = array<i32>} : memref<32x128xf32, #tpu.memory_space<vmem>>, vector<16xf32>,
      tpu.vector_store %arg7[%swap3A_78, %swap3A_79], %broadcast_in_dim3A_77 {strides = array<i32>} : memref<32x128xf32, #tpu.memory_space<vmem>>, vector<16xf32>,
      %broadcast_in_dim3A_81 = arith.constant 0.000000e+00 : f32
      %broadcast_in_dim3A_82 = vector.broadcast %broadcast_in_dim3A_81 : f32 to vector<16xf32>
      %swap3A_83 = arith.index_cast %scan3A_61 : i32 to index
      %swap3A_84 = arith.constant 64 : index
      %swap3A_85 = tpu.vector_load %arg7[%swap3A_83, %swap3A_84] {strides = array<i32>} : memref<32x128xf32, #tpu.memory_space<vmem>>, vector<16xf32>,
      tpu.vector_store %arg7[%swap3A_83, %swap3A_84], %broadcast_in_dim3A_82 {strides = array<i32>} : memref<32x128xf32, #tpu.memory_space<vmem>>, vector<16xf32>,
      %broadcast_in_dim3A_86 = arith.constant 0.000000e+00 : f32
      %broadcast_in_dim3A_87 = vector.broadcast %broadcast_in_dim3A_86 : f32 to vector<16xf32>
      %swap3A_88 = arith.index_cast %scan3A_61 : i32 to index
      %swap3A_89 = arith.constant 80 : index
      %swap3A_90 = tpu.vector_load %arg7[%swap3A_88, %swap3A_89] {strides = array<i32>} : memref<32x128xf32, #tpu.memory_space<vmem>>, vector<16xf32>,
      tpu.vector_store %arg7[%swap3A_88, %swap3A_89], %broadcast_in_dim3A_87 {strides = array<i32>} : memref<32x128xf32, #tpu.memory_space<vmem>>, vector<16xf32>,
      %broadcast_in_dim3A_91 = arith.constant 0.000000e+00 : f32
      %broadcast_in_dim3A_92 = vector.broadcast %broadcast_in_dim3A_91 : f32 to vector<16xf32>
      %swap3A_93 = arith.index_cast %scan3A_61 : i32 to index
      %swap3A_94 = arith.constant 96 : index
      %swap3A_95 = tpu.vector_load %arg7[%swap3A_93, %swap3A_94] {strides = array<i32>} : memref<32x128xf32, #tpu.memory_space<vmem>>, vector<16xf32>,
      tpu.vector_store %arg7[%swap3A_93, %swap3A_94], %broadcast_in_dim3A_92 {strides = array<i32>} : memref<32x128xf32, #tpu.memory_space<vmem>>, vector<16xf32>,
      %broadcast_in_dim3A_96 = arith.constant 0.000000e+00 : f32
      %broadcast_in_dim3A_97 = vector.broadcast %broadcast_in_dim3A_96 : f32 to vector<16xf32>
      %swap3A_98 = arith.index_cast %scan3A_61 : i32 to index
      %swap3A_99 = arith.constant 112 : index
      %swap3A_100 = tpu.vector_load %arg7[%swap3A_98, %swap3A_99] {strides = array<i32>} : memref<32x128xf32, #tpu.memory_space<vmem>>, vector<16xf32>,
      tpu.vector_store %arg7[%swap3A_98, %swap3A_99], %broadcast_in_dim3A_97 {strides = array<i32>} : memref<32x128xf32, #tpu.memory_space<vmem>>, vector<16xf32>,
      %scan3A_101 = arith.constant 0 : i32
      scf.yield %scan3A_101 : i32
    }
    %scan3A_12 = arith.constant 32 : i32
    %scan3A_13 = arith.constant 0 : i32
    %scan3A_14 = arith.constant 0 : i32
    %scan3A_15 = arith.constant 312 : i32
    %scan3A_16 = arith.addi %scan3A_14, %scan3A_15 : i32
    %scan3A_17 = arith.constant 1 : i32
    %scan3A_18 = scf.for %scan3A_61 = %scan3A_14 to %scan3A_16 step %scan3A_17 iter_args(%scan3A_62 = %scan3A_13) -> (i32)  : i32 {
      %mul3A_63 = arith.constant 16 : i32
      %mul3A_64 = arith.muli %scan3A_61, %mul3A_63 : i32
      %get3A_65 = arith.index_cast %mul3A_64 : i32 to index
      %get3A_66 = tpu.vector_load %arg5[%get3A_65] {strides = array<i32>} : memref<5008xf32, #tpu.memory_space<vmem>>, vector<16xf32>,
      %mul3A_67 = arith.constant 16 : i32
      %mul3A_68 = arith.muli %scan3A_61, %mul3A_67 : i32
      %get3A_69 = arith.index_cast %mul3A_68 : i32 to index
      %get3A_70 = tpu.vector_load %arg6[%get3A_69] {strides = array<i32>} : memref<5008xi32, #tpu.memory_space<vmem>>, vector<16xi32>,
      %shift_right_arithmetic3A_71 = arith.constant 7 : i32
      %shift_right_arithmetic3A_72 = vector.broadcast %shift_right_arithmetic3A_71 : i32 to vector<16xi32>
      %shift_right_arithmetic3A_73 = arith.shrsi %get3A_70, %shift_right_arithmetic3A_72 : vector<16xi32>
      %and3A_74 = arith.constant 127 : i32
      %and3A_75 = vector.broadcast %and3A_74 : i32 to vector<16xi32>
      %and3A_76 = arith.andi %get3A_70, %and3A_75 : vector<16xi32>
      tpu.vector_store_idx %arg7[%shift_right_arithmetic3A_73, %and3A_76], %get3A_66 {add = true} : memref<32x128xf32, #tpu.memory_space<vmem>>[vector<16xi32>, vector<16xi32>], vector<16xf32>,
      %scan3A_77 = arith.constant 0 : i32
      scf.yield %scan3A_77 : i32
    }
    %scan3A_19 = arith.constant 312 : i32
    %get3A = arith.constant 4992 : index
    %get3A_20 = tpu.vector_load %arg5[%get3A] {strides = array<i32>} : memref<5008xf32, #tpu.memory_space<vmem>>, vector<16xf32>,
    %get3A_21 = arith.constant 4992 : index
    %get3A_22 = tpu.vector_load %arg6[%get3A_21] {strides = array<i32>} : memref<5008xi32, #tpu.memory_space<vmem>>, vector<16xi32>,
    %iota3A = tpu.iota {dimensions = array<i32: 0>} : vector<16xi32>
    %lt3A = arith.constant 8 : i32
    %lt3A_23 = vector.broadcast %lt3A : i32 to vector<16xi32>
    %lt3A_24 = arith.cmpi slt, %iota3A, %lt3A_23 : vector<16xi32>
    %shift_right_arithmetic3A = arith.constant 7 : i32
    %shift_right_arithmetic3A_25 = vector.broadcast %shift_right_arithmetic3A : i32 to vector<16xi32>
    %shift_right_arithmetic3A_26 = arith.shrsi %get3A_22, %shift_right_arithmetic3A_25 : vector<16xi32>
    %and3A = arith.constant 127 : i32
    %and3A_27 = vector.broadcast %and3A : i32 to vector<16xi32>
    %and3A_28 = arith.andi %get3A_22, %and3A_27 : vector<16xi32>
    tpu.vector_store_idx %arg7[%shift_right_arithmetic3A_26, %and3A_28], %get3A_20 masked %lt3A_24 {add = true} : memref<32x128xf32, #tpu.memory_space<vmem>>[vector<16xi32>, vector<16xi32>], vector<16xf32>, vector<16xi1>
    %jit3A = arith.constant 8 : i32
    %div3A = arith.divsi %add3A, %jit3A : i32
    %sign3A = arith.constant 0 : i32
    %sign3A_29 = arith.cmpi sgt, %add3A, %sign3A : i32
    %sign3A_30 = arith.extui %sign3A_29 : i1 to i32
    %sign3A_31 = arith.constant 0 : i32
    %sign3A_32 = arith.cmpi slt, %add3A, %sign3A_31 : i32
    %sign3A_33 = arith.extui %sign3A_32 : i1 to i32
    %sign3A_34 = arith.subi %sign3A_30, %sign3A_33 : i32
    %sign3A_35 = arith.constant 0 : i32
    %sign3A_36 = arith.cmpi sgt, %jit3A, %sign3A_35 : i32
    %sign3A_37 = arith.extui %sign3A_36 : i1 to i32
    %sign3A_38 = arith.constant 0 : i32
    %sign3A_39 = arith.cmpi slt, %jit3A, %sign3A_38 : i32
    %sign3A_40 = arith.extui %sign3A_39 : i1 to i32
    %sign3A_41 = arith.subi %sign3A_37, %sign3A_40 : i32
    %ne3A = arith.cmpi ne, %sign3A_34, %sign3A_41 : i32
    %rem3A = arith.remsi %add3A, %jit3A : i32
    %ne3A_42 = arith.constant 0 : i32
    %ne3A_43 = arith.cmpi ne, %rem3A, %ne3A_42 : i32
    %and3A_44 = arith.andi %ne3A, %ne3A_43 : i1
    %sub3A = arith.constant 1 : i32
    %sub3A_45 = arith.subi %div3A, %sub3A : i32
    %select_n3A = arith.select %and3A_44, %sub3A_45, %div3A : i32
    %jit3A_46 = arith.constant 8 : i32
    %eq3A = arith.constant 0 : i32
    %eq3A_47 = arith.cmpi eq, %jit3A_46, %eq3A : i32
    %jit3A_48 = arith.constant 1 : i32
    %select_n3A_49 = arith.select %eq3A_47, %jit3A_48, %jit3A_46 : i32
    %rem3A_50 = arith.remsi %add3A, %select_n3A_49 : i32
    %ne3A_51 = arith.constant 0 : i32
    %ne3A_52 = arith.cmpi ne, %rem3A_50, %ne3A_51 : i32
    %lt3A_53 = arith.constant 0 : i32
    %lt3A_54 = arith.cmpi slt, %rem3A_50, %lt3A_53 : i32
    %lt3A_55 = arith.constant 0 : i32
    %lt3A_56 = arith.cmpi slt, %select_n3A_49, %lt3A_55 : i32
    %ne3A_57 = arith.xori %lt3A_54, %lt3A_56 : i1
    %and3A_58 = arith.andi %ne3A_57, %ne3A_52 : i1
    %add3A_59 = arith.addi %rem3A_50, %select_n3A_49 : i32
    %select_n3A_60 = arith.select %and3A_58, %add3A_59, %rem3A_50 : i32
    "tpu.region"() ({
      %run_scoped3A = tpu.sem_alloc : memref<!tpu.dma_semaphore, #tpu.memory_space<semaphore_mem>>
      %dma_start3A = arith.constant 0 : i32
      %dma_start3A_61 = arith.constant 0 : i32
      %dma_start3A_62 = tpu.memref_slice %arg4[%select_n3A, %dma_start3A, %select_n3A_60, %dma_start3A_61] : memref<4x32x8x128xf32, #tpu.memory_space<hbm>> -> memref<1x32x1x128xf32, #tpu.memory_space<hbm>>
      %dma_start3A_63 = tpu.memref_squeeze %dma_start3A_62 : memref<1x32x1x128xf32, #tpu.memory_space<hbm>> -> memref<32x128xf32, #tpu.memory_space<hbm>>
      %dma_start3A_64 = arith.constant 0 : i32
      %dma_start3A_65 = arith.constant 0 : i32
      %dma_start3A_66 = tpu.memref_slice %arg4[%select_n3A, %dma_start3A_64, %select_n3A_60, %dma_start3A_65] : memref<4x32x8x128xf32, #tpu.memory_space<hbm>> -> memref<1x32x1x128xf32, #tpu.memory_space<hbm>>
      %dma_start3A_67 = tpu.memref_squeeze %dma_start3A_66 : memref<1x32x1x128xf32, #tpu.memory_space<hbm>> -> memref<32x128xf32, #tpu.memory_space<hbm>>
      tpu.enqueue_dma source(%arg7 : memref<32x128xf32, #tpu.memory_space<vmem>>) target(%dma_start3A_67 : memref<32x128xf32, #tpu.memory_space<hbm>>) target_semaphore(%run_scoped3A : memref<!tpu.dma_semaphore, #tpu.memory_space<semaphore_mem>>)
      %dma_wait3A = arith.constant 0 : i32
      %dma_wait3A_68 = arith.constant 0 : i32
      %dma_wait3A_69 = tpu.memref_slice %arg4[%select_n3A, %dma_wait3A, %select_n3A_60, %dma_wait3A_68] : memref<4x32x8x128xf32, #tpu.memory_space<hbm>> -> memref<1x32x1x128xf32, #tpu.memory_space<hbm>>
      %dma_wait3A_70 = tpu.memref_squeeze %dma_wait3A_69 : memref<1x32x1x128xf32, #tpu.memory_space<hbm>> -> memref<32x128xf32, #tpu.memory_space<hbm>>
      %dma_wait3A_71 = arith.constant 0 : i32
      %dma_wait3A_72 = arith.constant 0 : i32
      %dma_wait3A_73 = tpu.memref_slice %arg4[%select_n3A, %dma_wait3A_71, %select_n3A_60, %dma_wait3A_72] : memref<4x32x8x128xf32, #tpu.memory_space<hbm>> -> memref<1x32x1x128xf32, #tpu.memory_space<hbm>>
      %dma_wait3A_74 = tpu.memref_squeeze %dma_wait3A_73 : memref<1x32x1x128xf32, #tpu.memory_space<hbm>> -> memref<32x128xf32, #tpu.memory_space<hbm>>
      tpu.wait_dma2 semaphore(%run_scoped3A : memref<!tpu.dma_semaphore, #tpu.memory_space<semaphore_mem>>) src(%arg7 : memref<32x128xf32, #tpu.memory_space<vmem>>) dst(%dma_wait3A_74 : memref<32x128xf32, #tpu.memory_space<hbm>>)
      tpu.yield
    }) : () -> ()
    return
  }
}

#map = affine_map<(d0, d1) -> (0)>
#map1 = affine_map<(d0, d1) -> (0, 0, 0, 0)>
module attributes {stable_mosaic.version = 14 : i64} {
  func.func @_segsum_body(%arg0: i32, %arg1: i32, %arg2: memref<160000xf32, #tpu.memory_space<hbm>>, %arg3: memref<800000xi32, #tpu.memory_space<hbm>>, %arg4: memref<4x32x8x128xf32, #tpu.memory_space<hbm>>, %arg5: memref<5008xf32, #tpu.memory_space<vmem>>, %arg6: memref<5008xi32, #tpu.memory_space<vmem>>, %arg7: memref<32x128xf32, #tpu.memory_space<vmem>>) attributes {dimension_semantics = [#tpu.dimension_semantics<core_parallel>, #tpu.dimension_semantics<subcore_parallel>], iteration_bounds = array<i64: 2, 16>, scalar_prefetch = 0 : i64, scratch_operands = 3 : i64, tpu.core_type = #tpu.core_type<sc_vector_subcore>, window_params = [{transform_indices = #map}, {transform_indices = #map}, {transform_indices = #map1}]} {
    %mul3A = arith.constant 2 : i32
    %mul3A_0 = arith.muli %arg1, %mul3A : i32
    %add3A = arith.addi %mul3A_0, %arg0 : i32
    %mul3A_1 = arith.constant 5000 : i32
    %mul3A_2 = arith.muli %add3A, %mul3A_1 : i32
    %mul3A_3 = arith.constant 5000 : i32
    %mul3A_4 = arith.muli %add3A, %mul3A_3 : i32
    %add3A_5 = arith.constant 480000 : i32
    %add3A_6 = arith.addi %add3A_5, %mul3A_4 : i32
    "tpu.region"() ({
      %run_scoped3A = tpu.sem_alloc : memref<!tpu.dma_semaphore, #tpu.memory_space<semaphore_mem>>
      %dma_start3A = arith.constant 0 : i32
      %dma_start3A_61 = tpu.memref_slice %arg5[%dma_start3A] : memref<5008xf32, #tpu.memory_space<vmem>> -> memref<5000xf32, #tpu.memory_space<vmem>>
      %dma_start3A_62 = tpu.memref_slice %arg2[%mul3A_2] : memref<160000xf32, #tpu.memory_space<hbm>> -> memref<5000xf32, #tpu.memory_space<hbm>>
      %dma_start3A_63 = arith.constant 0 : i32
      %dma_start3A_64 = tpu.memref_slice %arg5[%dma_start3A_63] : memref<5008xf32, #tpu.memory_space<vmem>> -> memref<5000xf32, #tpu.memory_space<vmem>>
      %dma_start3A_65 = tpu.memref_slice %arg2[%mul3A_2] : memref<160000xf32, #tpu.memory_space<hbm>> -> memref<5000xf32, #tpu.memory_space<hbm>>
      tpu.enqueue_dma source(%dma_start3A_65 : memref<5000xf32, #tpu.memory_space<hbm>>) target(%dma_start3A_64 : memref<5000xf32, #tpu.memory_space<vmem>>) target_semaphore(%run_scoped3A : memref<!tpu.dma_semaphore, #tpu.memory_space<semaphore_mem>>)
      %dma_wait3A = arith.constant 0 : i32
      %dma_wait3A_66 = tpu.memref_slice %arg5[%dma_wait3A] : memref<5008xf32, #tpu.memory_space<vmem>> -> memref<5000xf32, #tpu.memory_space<vmem>>
      %dma_wait3A_67 = tpu.memref_slice %arg2[%mul3A_2] : memref<160000xf32, #tpu.memory_space<hbm>> -> memref<5000xf32, #tpu.memory_space<hbm>>
      %dma_wait3A_68 = arith.constant 0 : i32
      %dma_wait3A_69 = tpu.memref_slice %arg5[%dma_wait3A_68] : memref<5008xf32, #tpu.memory_space<vmem>> -> memref<5000xf32, #tpu.memory_space<vmem>>
      %dma_wait3A_70 = tpu.memref_slice %arg2[%mul3A_2] : memref<160000xf32, #tpu.memory_space<hbm>> -> memref<5000xf32, #tpu.memory_space<hbm>>
      tpu.wait_dma2 semaphore(%run_scoped3A : memref<!tpu.dma_semaphore, #tpu.memory_space<semaphore_mem>>) src(%dma_wait3A_70 : memref<5000xf32, #tpu.memory_space<hbm>>) dst(%dma_wait3A_69 : memref<5000xf32, #tpu.memory_space<vmem>>)
      tpu.yield
    }) : () -> ()
    "tpu.region"() ({
      %run_scoped3A = tpu.sem_alloc : memref<!tpu.dma_semaphore, #tpu.memory_space<semaphore_mem>>
      %dma_start3A = arith.constant 0 : i32
      %dma_start3A_61 = tpu.memref_slice %arg6[%dma_start3A] : memref<5008xi32, #tpu.memory_space<vmem>> -> memref<5000xi32, #tpu.memory_space<vmem>>
      %dma_start3A_62 = tpu.memref_slice %arg3[%add3A_6] : memref<800000xi32, #tpu.memory_space<hbm>> -> memref<5000xi32, #tpu.memory_space<hbm>>
      %dma_start3A_63 = arith.constant 0 : i32
      %dma_start3A_64 = tpu.memref_slice %arg6[%dma_start3A_63] : memref<5008xi32, #tpu.memory_space<vmem>> -> memref<5000xi32, #tpu.memory_space<vmem>>
      %dma_start3A_65 = tpu.memref_slice %arg3[%add3A_6] : memref<800000xi32, #tpu.memory_space<hbm>> -> memref<5000xi32, #tpu.memory_space<hbm>>
      tpu.enqueue_dma source(%dma_start3A_65 : memref<5000xi32, #tpu.memory_space<hbm>>) target(%dma_start3A_64 : memref<5000xi32, #tpu.memory_space<vmem>>) target_semaphore(%run_scoped3A : memref<!tpu.dma_semaphore, #tpu.memory_space<semaphore_mem>>)
      %dma_wait3A = arith.constant 0 : i32
      %dma_wait3A_66 = tpu.memref_slice %arg6[%dma_wait3A] : memref<5008xi32, #tpu.memory_space<vmem>> -> memref<5000xi32, #tpu.memory_space<vmem>>
      %dma_wait3A_67 = tpu.memref_slice %arg3[%add3A_6] : memref<800000xi32, #tpu.memory_space<hbm>> -> memref<5000xi32, #tpu.memory_space<hbm>>
      %dma_wait3A_68 = arith.constant 0 : i32
      %dma_wait3A_69 = tpu.memref_slice %arg6[%dma_wait3A_68] : memref<5008xi32, #tpu.memory_space<vmem>> -> memref<5000xi32, #tpu.memory_space<vmem>>
      %dma_wait3A_70 = tpu.memref_slice %arg3[%add3A_6] : memref<800000xi32, #tpu.memory_space<hbm>> -> memref<5000xi32, #tpu.memory_space<hbm>>
      tpu.wait_dma2 semaphore(%run_scoped3A : memref<!tpu.dma_semaphore, #tpu.memory_space<semaphore_mem>>) src(%dma_wait3A_70 : memref<5000xi32, #tpu.memory_space<hbm>>) dst(%dma_wait3A_69 : memref<5000xi32, #tpu.memory_space<vmem>>)
      tpu.yield
    }) : () -> ()
    %scan3A = arith.constant 0 : i32
    %scan3A_7 = arith.constant 0 : i32
    %scan3A_8 = arith.constant 32 : i32
    %scan3A_9 = arith.addi %scan3A_7, %scan3A_8 : i32
    %scan3A_10 = arith.constant 1 : i32
    %scan3A_11 = scf.for %scan3A_61 = %scan3A_7 to %scan3A_9 step %scan3A_10 iter_args(%scan3A_62 = %scan3A) -> (i32)  : i32 {
      %broadcast_in_dim3A = arith.constant 0.000000e+00 : f32
      %broadcast_in_dim3A_63 = vector.broadcast %broadcast_in_dim3A : f32 to vector<16xf32>
      %swap3A = arith.index_cast %scan3A_61 : i32 to index
      %swap3A_64 = arith.constant 0 : index
      %swap3A_65 = tpu.vector_load %arg7[%swap3A, %swap3A_64] {strides = array<i32>} : memref<32x128xf32, #tpu.memory_space<vmem>>, vector<16xf32>,
      tpu.vector_store %arg7[%swap3A, %swap3A_64], %broadcast_in_dim3A_63 {strides = array<i32>} : memref<32x128xf32, #tpu.memory_space<vmem>>, vector<16xf32>,
      %broadcast_in_dim3A_66 = arith.constant 0.000000e+00 : f32
      %broadcast_in_dim3A_67 = vector.broadcast %broadcast_in_dim3A_66 : f32 to vector<16xf32>
      %swap3A_68 = arith.index_cast %scan3A_61 : i32 to index
      %swap3A_69 = arith.constant 16 : index
      %swap3A_70 = tpu.vector_load %arg7[%swap3A_68, %swap3A_69] {strides = array<i32>} : memref<32x128xf32, #tpu.memory_space<vmem>>, vector<16xf32>,
      tpu.vector_store %arg7[%swap3A_68, %swap3A_69], %broadcast_in_dim3A_67 {strides = array<i32>} : memref<32x128xf32, #tpu.memory_space<vmem>>, vector<16xf32>,
      %broadcast_in_dim3A_71 = arith.constant 0.000000e+00 : f32
      %broadcast_in_dim3A_72 = vector.broadcast %broadcast_in_dim3A_71 : f32 to vector<16xf32>
      %swap3A_73 = arith.index_cast %scan3A_61 : i32 to index
      %swap3A_74 = arith.constant 32 : index
      %swap3A_75 = tpu.vector_load %arg7[%swap3A_73, %swap3A_74] {strides = array<i32>} : memref<32x128xf32, #tpu.memory_space<vmem>>, vector<16xf32>,
      tpu.vector_store %arg7[%swap3A_73, %swap3A_74], %broadcast_in_dim3A_72 {strides = array<i32>} : memref<32x128xf32, #tpu.memory_space<vmem>>, vector<16xf32>,
      %broadcast_in_dim3A_76 = arith.constant 0.000000e+00 : f32
      %broadcast_in_dim3A_77 = vector.broadcast %broadcast_in_dim3A_76 : f32 to vector<16xf32>
      %swap3A_78 = arith.index_cast %scan3A_61 : i32 to index
      %swap3A_79 = arith.constant 48 : index
      %swap3A_80 = tpu.vector_load %arg7[%swap3A_78, %swap3A_79] {strides = array<i32>} : memref<32x128xf32, #tpu.memory_space<vmem>>, vector<16xf32>,
      tpu.vector_store %arg7[%swap3A_78, %swap3A_79], %broadcast_in_dim3A_77 {strides = array<i32>} : memref<32x128xf32, #tpu.memory_space<vmem>>, vector<16xf32>,
      %broadcast_in_dim3A_81 = arith.constant 0.000000e+00 : f32
      %broadcast_in_dim3A_82 = vector.broadcast %broadcast_in_dim3A_81 : f32 to vector<16xf32>
      %swap3A_83 = arith.index_cast %scan3A_61 : i32 to index
      %swap3A_84 = arith.constant 64 : index
      %swap3A_85 = tpu.vector_load %arg7[%swap3A_83, %swap3A_84] {strides = array<i32>} : memref<32x128xf32, #tpu.memory_space<vmem>>, vector<16xf32>,
      tpu.vector_store %arg7[%swap3A_83, %swap3A_84], %broadcast_in_dim3A_82 {strides = array<i32>} : memref<32x128xf32, #tpu.memory_space<vmem>>, vector<16xf32>,
      %broadcast_in_dim3A_86 = arith.constant 0.000000e+00 : f32
      %broadcast_in_dim3A_87 = vector.broadcast %broadcast_in_dim3A_86 : f32 to vector<16xf32>
      %swap3A_88 = arith.index_cast %scan3A_61 : i32 to index
      %swap3A_89 = arith.constant 80 : index
      %swap3A_90 = tpu.vector_load %arg7[%swap3A_88, %swap3A_89] {strides = array<i32>} : memref<32x128xf32, #tpu.memory_space<vmem>>, vector<16xf32>,
      tpu.vector_store %arg7[%swap3A_88, %swap3A_89], %broadcast_in_dim3A_87 {strides = array<i32>} : memref<32x128xf32, #tpu.memory_space<vmem>>, vector<16xf32>,
      %broadcast_in_dim3A_91 = arith.constant 0.000000e+00 : f32
      %broadcast_in_dim3A_92 = vector.broadcast %broadcast_in_dim3A_91 : f32 to vector<16xf32>
      %swap3A_93 = arith.index_cast %scan3A_61 : i32 to index
      %swap3A_94 = arith.constant 96 : index
      %swap3A_95 = tpu.vector_load %arg7[%swap3A_93, %swap3A_94] {strides = array<i32>} : memref<32x128xf32, #tpu.memory_space<vmem>>, vector<16xf32>,
      tpu.vector_store %arg7[%swap3A_93, %swap3A_94], %broadcast_in_dim3A_92 {strides = array<i32>} : memref<32x128xf32, #tpu.memory_space<vmem>>, vector<16xf32>,
      %broadcast_in_dim3A_96 = arith.constant 0.000000e+00 : f32
      %broadcast_in_dim3A_97 = vector.broadcast %broadcast_in_dim3A_96 : f32 to vector<16xf32>
      %swap3A_98 = arith.index_cast %scan3A_61 : i32 to index
      %swap3A_99 = arith.constant 112 : index
      %swap3A_100 = tpu.vector_load %arg7[%swap3A_98, %swap3A_99] {strides = array<i32>} : memref<32x128xf32, #tpu.memory_space<vmem>>, vector<16xf32>,
      tpu.vector_store %arg7[%swap3A_98, %swap3A_99], %broadcast_in_dim3A_97 {strides = array<i32>} : memref<32x128xf32, #tpu.memory_space<vmem>>, vector<16xf32>,
      %scan3A_101 = arith.constant 0 : i32
      scf.yield %scan3A_101 : i32
    }
    %scan3A_12 = arith.constant 32 : i32
    %scan3A_13 = arith.constant 0 : i32
    %scan3A_14 = arith.constant 0 : i32
    %scan3A_15 = arith.constant 312 : i32
    %scan3A_16 = arith.addi %scan3A_14, %scan3A_15 : i32
    %scan3A_17 = arith.constant 1 : i32
    %scan3A_18 = scf.for %scan3A_61 = %scan3A_14 to %scan3A_16 step %scan3A_17 iter_args(%scan3A_62 = %scan3A_13) -> (i32)  : i32 {
      %mul3A_63 = arith.constant 16 : i32
      %mul3A_64 = arith.muli %scan3A_61, %mul3A_63 : i32
      %get3A_65 = arith.index_cast %mul3A_64 : i32 to index
      %get3A_66 = tpu.vector_load %arg5[%get3A_65] {strides = array<i32>} : memref<5008xf32, #tpu.memory_space<vmem>>, vector<16xf32>,
      %mul3A_67 = arith.constant 16 : i32
      %mul3A_68 = arith.muli %scan3A_61, %mul3A_67 : i32
      %get3A_69 = arith.index_cast %mul3A_68 : i32 to index
      %get3A_70 = tpu.vector_load %arg6[%get3A_69] {strides = array<i32>} : memref<5008xi32, #tpu.memory_space<vmem>>, vector<16xi32>,
      %shift_right_arithmetic3A_71 = arith.constant 7 : i32
      %shift_right_arithmetic3A_72 = vector.broadcast %shift_right_arithmetic3A_71 : i32 to vector<16xi32>
      %shift_right_arithmetic3A_73 = arith.shrsi %get3A_70, %shift_right_arithmetic3A_72 : vector<16xi32>
      %and3A_74 = arith.constant 127 : i32
      %and3A_75 = vector.broadcast %and3A_74 : i32 to vector<16xi32>
      %and3A_76 = arith.andi %get3A_70, %and3A_75 : vector<16xi32>
      tpu.vector_store_idx %arg7[%shift_right_arithmetic3A_73, %and3A_76], %get3A_66 {add = true} : memref<32x128xf32, #tpu.memory_space<vmem>>[vector<16xi32>, vector<16xi32>], vector<16xf32>,
      %scan3A_77 = arith.constant 0 : i32
      scf.yield %scan3A_77 : i32
    }
    %scan3A_19 = arith.constant 312 : i32
    %get3A = arith.constant 4992 : index
    %get3A_20 = tpu.vector_load %arg5[%get3A] {strides = array<i32>} : memref<5008xf32, #tpu.memory_space<vmem>>, vector<16xf32>,
    %get3A_21 = arith.constant 4992 : index
    %get3A_22 = tpu.vector_load %arg6[%get3A_21] {strides = array<i32>} : memref<5008xi32, #tpu.memory_space<vmem>>, vector<16xi32>,
    %iota3A = tpu.iota {dimensions = array<i32: 0>} : vector<16xi32>
    %lt3A = arith.constant 8 : i32
    %lt3A_23 = vector.broadcast %lt3A : i32 to vector<16xi32>
    %lt3A_24 = arith.cmpi slt, %iota3A, %lt3A_23 : vector<16xi32>
    %shift_right_arithmetic3A = arith.constant 7 : i32
    %shift_right_arithmetic3A_25 = vector.broadcast %shift_right_arithmetic3A : i32 to vector<16xi32>
    %shift_right_arithmetic3A_26 = arith.shrsi %get3A_22, %shift_right_arithmetic3A_25 : vector<16xi32>
    %and3A = arith.constant 127 : i32
    %and3A_27 = vector.broadcast %and3A : i32 to vector<16xi32>
    %and3A_28 = arith.andi %get3A_22, %and3A_27 : vector<16xi32>
    tpu.vector_store_idx %arg7[%shift_right_arithmetic3A_26, %and3A_28], %get3A_20 masked %lt3A_24 {add = true} : memref<32x128xf32, #tpu.memory_space<vmem>>[vector<16xi32>, vector<16xi32>], vector<16xf32>, vector<16xi1>
    %jit3A = arith.constant 8 : i32
    %div3A = arith.divsi %add3A, %jit3A : i32
    %sign3A = arith.constant 0 : i32
    %sign3A_29 = arith.cmpi sgt, %add3A, %sign3A : i32
    %sign3A_30 = arith.extui %sign3A_29 : i1 to i32
    %sign3A_31 = arith.constant 0 : i32
    %sign3A_32 = arith.cmpi slt, %add3A, %sign3A_31 : i32
    %sign3A_33 = arith.extui %sign3A_32 : i1 to i32
    %sign3A_34 = arith.subi %sign3A_30, %sign3A_33 : i32
    %sign3A_35 = arith.constant 0 : i32
    %sign3A_36 = arith.cmpi sgt, %jit3A, %sign3A_35 : i32
    %sign3A_37 = arith.extui %sign3A_36 : i1 to i32
    %sign3A_38 = arith.constant 0 : i32
    %sign3A_39 = arith.cmpi slt, %jit3A, %sign3A_38 : i32
    %sign3A_40 = arith.extui %sign3A_39 : i1 to i32
    %sign3A_41 = arith.subi %sign3A_37, %sign3A_40 : i32
    %ne3A = arith.cmpi ne, %sign3A_34, %sign3A_41 : i32
    %rem3A = arith.remsi %add3A, %jit3A : i32
    %ne3A_42 = arith.constant 0 : i32
    %ne3A_43 = arith.cmpi ne, %rem3A, %ne3A_42 : i32
    %and3A_44 = arith.andi %ne3A, %ne3A_43 : i1
    %sub3A = arith.constant 1 : i32
    %sub3A_45 = arith.subi %div3A, %sub3A : i32
    %select_n3A = arith.select %and3A_44, %sub3A_45, %div3A : i32
    %jit3A_46 = arith.constant 8 : i32
    %eq3A = arith.constant 0 : i32
    %eq3A_47 = arith.cmpi eq, %jit3A_46, %eq3A : i32
    %jit3A_48 = arith.constant 1 : i32
    %select_n3A_49 = arith.select %eq3A_47, %jit3A_48, %jit3A_46 : i32
    %rem3A_50 = arith.remsi %add3A, %select_n3A_49 : i32
    %ne3A_51 = arith.constant 0 : i32
    %ne3A_52 = arith.cmpi ne, %rem3A_50, %ne3A_51 : i32
    %lt3A_53 = arith.constant 0 : i32
    %lt3A_54 = arith.cmpi slt, %rem3A_50, %lt3A_53 : i32
    %lt3A_55 = arith.constant 0 : i32
    %lt3A_56 = arith.cmpi slt, %select_n3A_49, %lt3A_55 : i32
    %ne3A_57 = arith.xori %lt3A_54, %lt3A_56 : i1
    %and3A_58 = arith.andi %ne3A_57, %ne3A_52 : i1
    %add3A_59 = arith.addi %rem3A_50, %select_n3A_49 : i32
    %select_n3A_60 = arith.select %and3A_58, %add3A_59, %rem3A_50 : i32
    "tpu.region"() ({
      %run_scoped3A = tpu.sem_alloc : memref<!tpu.dma_semaphore, #tpu.memory_space<semaphore_mem>>
      %dma_start3A = arith.constant 0 : i32
      %dma_start3A_61 = arith.constant 0 : i32
      %dma_start3A_62 = tpu.memref_slice %arg4[%select_n3A, %dma_start3A, %select_n3A_60, %dma_start3A_61] : memref<4x32x8x128xf32, #tpu.memory_space<hbm>> -> memref<1x32x1x128xf32, #tpu.memory_space<hbm>>
      %dma_start3A_63 = tpu.memref_squeeze %dma_start3A_62 : memref<1x32x1x128xf32, #tpu.memory_space<hbm>> -> memref<32x128xf32, #tpu.memory_space<hbm>>
      %dma_start3A_64 = arith.constant 0 : i32
      %dma_start3A_65 = arith.constant 0 : i32
      %dma_start3A_66 = tpu.memref_slice %arg4[%select_n3A, %dma_start3A_64, %select_n3A_60, %dma_start3A_65] : memref<4x32x8x128xf32, #tpu.memory_space<hbm>> -> memref<1x32x1x128xf32, #tpu.memory_space<hbm>>
      %dma_start3A_67 = tpu.memref_squeeze %dma_start3A_66 : memref<1x32x1x128xf32, #tpu.memory_space<hbm>> -> memref<32x128xf32, #tpu.memory_space<hbm>>
      tpu.enqueue_dma source(%arg7 : memref<32x128xf32, #tpu.memory_space<vmem>>) target(%dma_start3A_67 : memref<32x128xf32, #tpu.memory_space<hbm>>) target_semaphore(%run_scoped3A : memref<!tpu.dma_semaphore, #tpu.memory_space<semaphore_mem>>)
      %dma_wait3A = arith.constant 0 : i32
      %dma_wait3A_68 = arith.constant 0 : i32
      %dma_wait3A_69 = tpu.memref_slice %arg4[%select_n3A, %dma_wait3A, %select_n3A_60, %dma_wait3A_68] : memref<4x32x8x128xf32, #tpu.memory_space<hbm>> -> memref<1x32x1x128xf32, #tpu.memory_space<hbm>>
      %dma_wait3A_70 = tpu.memref_squeeze %dma_wait3A_69 : memref<1x32x1x128xf32, #tpu.memory_space<hbm>> -> memref<32x128xf32, #tpu.memory_space<hbm>>
      %dma_wait3A_71 = arith.constant 0 : i32
      %dma_wait3A_72 = arith.constant 0 : i32
      %dma_wait3A_73 = tpu.memref_slice %arg4[%select_n3A, %dma_wait3A_71, %select_n3A_60, %dma_wait3A_72] : memref<4x32x8x128xf32, #tpu.memory_space<hbm>> -> memref<1x32x1x128xf32, #tpu.memory_space<hbm>>
      %dma_wait3A_74 = tpu.memref_squeeze %dma_wait3A_73 : memref<1x32x1x128xf32, #tpu.memory_space<hbm>> -> memref<32x128xf32, #tpu.memory_space<hbm>>
      tpu.wait_dma2 semaphore(%run_scoped3A : memref<!tpu.dma_semaphore, #tpu.memory_space<semaphore_mem>>) src(%arg7 : memref<32x128xf32, #tpu.memory_space<vmem>>) dst(%dma_wait3A_74 : memref<32x128xf32, #tpu.memory_space<hbm>>)
      tpu.yield
    }) : () -> ()
    return
  }
}

#map = affine_map<(d0, d1) -> (0)>
#map1 = affine_map<(d0, d1) -> (0, 0, 0, 0)>
module attributes {stable_mosaic.version = 14 : i64} {
  func.func @_segsum_body(%arg0: i32, %arg1: i32, %arg2: memref<160000xf32, #tpu.memory_space<hbm>>, %arg3: memref<800000xi32, #tpu.memory_space<hbm>>, %arg4: memref<4x32x8x128xf32, #tpu.memory_space<hbm>>, %arg5: memref<5008xf32, #tpu.memory_space<vmem>>, %arg6: memref<5008xi32, #tpu.memory_space<vmem>>, %arg7: memref<32x128xf32, #tpu.memory_space<vmem>>) attributes {dimension_semantics = [#tpu.dimension_semantics<core_parallel>, #tpu.dimension_semantics<subcore_parallel>], iteration_bounds = array<i64: 2, 16>, scalar_prefetch = 0 : i64, scratch_operands = 3 : i64, tpu.core_type = #tpu.core_type<sc_vector_subcore>, window_params = [{transform_indices = #map}, {transform_indices = #map}, {transform_indices = #map1}]} {
    %mul3A = arith.constant 2 : i32
    %mul3A_0 = arith.muli %arg1, %mul3A : i32
    %add3A = arith.addi %mul3A_0, %arg0 : i32
    %mul3A_1 = arith.constant 5000 : i32
    %mul3A_2 = arith.muli %add3A, %mul3A_1 : i32
    %mul3A_3 = arith.constant 5000 : i32
    %mul3A_4 = arith.muli %add3A, %mul3A_3 : i32
    %add3A_5 = arith.constant 320000 : i32
    %add3A_6 = arith.addi %add3A_5, %mul3A_4 : i32
    "tpu.region"() ({
      %run_scoped3A = tpu.sem_alloc : memref<!tpu.dma_semaphore, #tpu.memory_space<semaphore_mem>>
      %dma_start3A = arith.constant 0 : i32
      %dma_start3A_61 = tpu.memref_slice %arg5[%dma_start3A] : memref<5008xf32, #tpu.memory_space<vmem>> -> memref<5000xf32, #tpu.memory_space<vmem>>
      %dma_start3A_62 = tpu.memref_slice %arg2[%mul3A_2] : memref<160000xf32, #tpu.memory_space<hbm>> -> memref<5000xf32, #tpu.memory_space<hbm>>
      %dma_start3A_63 = arith.constant 0 : i32
      %dma_start3A_64 = tpu.memref_slice %arg5[%dma_start3A_63] : memref<5008xf32, #tpu.memory_space<vmem>> -> memref<5000xf32, #tpu.memory_space<vmem>>
      %dma_start3A_65 = tpu.memref_slice %arg2[%mul3A_2] : memref<160000xf32, #tpu.memory_space<hbm>> -> memref<5000xf32, #tpu.memory_space<hbm>>
      tpu.enqueue_dma source(%dma_start3A_65 : memref<5000xf32, #tpu.memory_space<hbm>>) target(%dma_start3A_64 : memref<5000xf32, #tpu.memory_space<vmem>>) target_semaphore(%run_scoped3A : memref<!tpu.dma_semaphore, #tpu.memory_space<semaphore_mem>>)
      %dma_wait3A = arith.constant 0 : i32
      %dma_wait3A_66 = tpu.memref_slice %arg5[%dma_wait3A] : memref<5008xf32, #tpu.memory_space<vmem>> -> memref<5000xf32, #tpu.memory_space<vmem>>
      %dma_wait3A_67 = tpu.memref_slice %arg2[%mul3A_2] : memref<160000xf32, #tpu.memory_space<hbm>> -> memref<5000xf32, #tpu.memory_space<hbm>>
      %dma_wait3A_68 = arith.constant 0 : i32
      %dma_wait3A_69 = tpu.memref_slice %arg5[%dma_wait3A_68] : memref<5008xf32, #tpu.memory_space<vmem>> -> memref<5000xf32, #tpu.memory_space<vmem>>
      %dma_wait3A_70 = tpu.memref_slice %arg2[%mul3A_2] : memref<160000xf32, #tpu.memory_space<hbm>> -> memref<5000xf32, #tpu.memory_space<hbm>>
      tpu.wait_dma2 semaphore(%run_scoped3A : memref<!tpu.dma_semaphore, #tpu.memory_space<semaphore_mem>>) src(%dma_wait3A_70 : memref<5000xf32, #tpu.memory_space<hbm>>) dst(%dma_wait3A_69 : memref<5000xf32, #tpu.memory_space<vmem>>)
      tpu.yield
    }) : () -> ()
    "tpu.region"() ({
      %run_scoped3A = tpu.sem_alloc : memref<!tpu.dma_semaphore, #tpu.memory_space<semaphore_mem>>
      %dma_start3A = arith.constant 0 : i32
      %dma_start3A_61 = tpu.memref_slice %arg6[%dma_start3A] : memref<5008xi32, #tpu.memory_space<vmem>> -> memref<5000xi32, #tpu.memory_space<vmem>>
      %dma_start3A_62 = tpu.memref_slice %arg3[%add3A_6] : memref<800000xi32, #tpu.memory_space<hbm>> -> memref<5000xi32, #tpu.memory_space<hbm>>
      %dma_start3A_63 = arith.constant 0 : i32
      %dma_start3A_64 = tpu.memref_slice %arg6[%dma_start3A_63] : memref<5008xi32, #tpu.memory_space<vmem>> -> memref<5000xi32, #tpu.memory_space<vmem>>
      %dma_start3A_65 = tpu.memref_slice %arg3[%add3A_6] : memref<800000xi32, #tpu.memory_space<hbm>> -> memref<5000xi32, #tpu.memory_space<hbm>>
      tpu.enqueue_dma source(%dma_start3A_65 : memref<5000xi32, #tpu.memory_space<hbm>>) target(%dma_start3A_64 : memref<5000xi32, #tpu.memory_space<vmem>>) target_semaphore(%run_scoped3A : memref<!tpu.dma_semaphore, #tpu.memory_space<semaphore_mem>>)
      %dma_wait3A = arith.constant 0 : i32
      %dma_wait3A_66 = tpu.memref_slice %arg6[%dma_wait3A] : memref<5008xi32, #tpu.memory_space<vmem>> -> memref<5000xi32, #tpu.memory_space<vmem>>
      %dma_wait3A_67 = tpu.memref_slice %arg3[%add3A_6] : memref<800000xi32, #tpu.memory_space<hbm>> -> memref<5000xi32, #tpu.memory_space<hbm>>
      %dma_wait3A_68 = arith.constant 0 : i32
      %dma_wait3A_69 = tpu.memref_slice %arg6[%dma_wait3A_68] : memref<5008xi32, #tpu.memory_space<vmem>> -> memref<5000xi32, #tpu.memory_space<vmem>>
      %dma_wait3A_70 = tpu.memref_slice %arg3[%add3A_6] : memref<800000xi32, #tpu.memory_space<hbm>> -> memref<5000xi32, #tpu.memory_space<hbm>>
      tpu.wait_dma2 semaphore(%run_scoped3A : memref<!tpu.dma_semaphore, #tpu.memory_space<semaphore_mem>>) src(%dma_wait3A_70 : memref<5000xi32, #tpu.memory_space<hbm>>) dst(%dma_wait3A_69 : memref<5000xi32, #tpu.memory_space<vmem>>)
      tpu.yield
    }) : () -> ()
    %scan3A = arith.constant 0 : i32
    %scan3A_7 = arith.constant 0 : i32
    %scan3A_8 = arith.constant 32 : i32
    %scan3A_9 = arith.addi %scan3A_7, %scan3A_8 : i32
    %scan3A_10 = arith.constant 1 : i32
    %scan3A_11 = scf.for %scan3A_61 = %scan3A_7 to %scan3A_9 step %scan3A_10 iter_args(%scan3A_62 = %scan3A) -> (i32)  : i32 {
      %broadcast_in_dim3A = arith.constant 0.000000e+00 : f32
      %broadcast_in_dim3A_63 = vector.broadcast %broadcast_in_dim3A : f32 to vector<16xf32>
      %swap3A = arith.index_cast %scan3A_61 : i32 to index
      %swap3A_64 = arith.constant 0 : index
      %swap3A_65 = tpu.vector_load %arg7[%swap3A, %swap3A_64] {strides = array<i32>} : memref<32x128xf32, #tpu.memory_space<vmem>>, vector<16xf32>,
      tpu.vector_store %arg7[%swap3A, %swap3A_64], %broadcast_in_dim3A_63 {strides = array<i32>} : memref<32x128xf32, #tpu.memory_space<vmem>>, vector<16xf32>,
      %broadcast_in_dim3A_66 = arith.constant 0.000000e+00 : f32
      %broadcast_in_dim3A_67 = vector.broadcast %broadcast_in_dim3A_66 : f32 to vector<16xf32>
      %swap3A_68 = arith.index_cast %scan3A_61 : i32 to index
      %swap3A_69 = arith.constant 16 : index
      %swap3A_70 = tpu.vector_load %arg7[%swap3A_68, %swap3A_69] {strides = array<i32>} : memref<32x128xf32, #tpu.memory_space<vmem>>, vector<16xf32>,
      tpu.vector_store %arg7[%swap3A_68, %swap3A_69], %broadcast_in_dim3A_67 {strides = array<i32>} : memref<32x128xf32, #tpu.memory_space<vmem>>, vector<16xf32>,
      %broadcast_in_dim3A_71 = arith.constant 0.000000e+00 : f32
      %broadcast_in_dim3A_72 = vector.broadcast %broadcast_in_dim3A_71 : f32 to vector<16xf32>
      %swap3A_73 = arith.index_cast %scan3A_61 : i32 to index
      %swap3A_74 = arith.constant 32 : index
      %swap3A_75 = tpu.vector_load %arg7[%swap3A_73, %swap3A_74] {strides = array<i32>} : memref<32x128xf32, #tpu.memory_space<vmem>>, vector<16xf32>,
      tpu.vector_store %arg7[%swap3A_73, %swap3A_74], %broadcast_in_dim3A_72 {strides = array<i32>} : memref<32x128xf32, #tpu.memory_space<vmem>>, vector<16xf32>,
      %broadcast_in_dim3A_76 = arith.constant 0.000000e+00 : f32
      %broadcast_in_dim3A_77 = vector.broadcast %broadcast_in_dim3A_76 : f32 to vector<16xf32>
      %swap3A_78 = arith.index_cast %scan3A_61 : i32 to index
      %swap3A_79 = arith.constant 48 : index
      %swap3A_80 = tpu.vector_load %arg7[%swap3A_78, %swap3A_79] {strides = array<i32>} : memref<32x128xf32, #tpu.memory_space<vmem>>, vector<16xf32>,
      tpu.vector_store %arg7[%swap3A_78, %swap3A_79], %broadcast_in_dim3A_77 {strides = array<i32>} : memref<32x128xf32, #tpu.memory_space<vmem>>, vector<16xf32>,
      %broadcast_in_dim3A_81 = arith.constant 0.000000e+00 : f32
      %broadcast_in_dim3A_82 = vector.broadcast %broadcast_in_dim3A_81 : f32 to vector<16xf32>
      %swap3A_83 = arith.index_cast %scan3A_61 : i32 to index
      %swap3A_84 = arith.constant 64 : index
      %swap3A_85 = tpu.vector_load %arg7[%swap3A_83, %swap3A_84] {strides = array<i32>} : memref<32x128xf32, #tpu.memory_space<vmem>>, vector<16xf32>,
      tpu.vector_store %arg7[%swap3A_83, %swap3A_84], %broadcast_in_dim3A_82 {strides = array<i32>} : memref<32x128xf32, #tpu.memory_space<vmem>>, vector<16xf32>,
      %broadcast_in_dim3A_86 = arith.constant 0.000000e+00 : f32
      %broadcast_in_dim3A_87 = vector.broadcast %broadcast_in_dim3A_86 : f32 to vector<16xf32>
      %swap3A_88 = arith.index_cast %scan3A_61 : i32 to index
      %swap3A_89 = arith.constant 80 : index
      %swap3A_90 = tpu.vector_load %arg7[%swap3A_88, %swap3A_89] {strides = array<i32>} : memref<32x128xf32, #tpu.memory_space<vmem>>, vector<16xf32>,
      tpu.vector_store %arg7[%swap3A_88, %swap3A_89], %broadcast_in_dim3A_87 {strides = array<i32>} : memref<32x128xf32, #tpu.memory_space<vmem>>, vector<16xf32>,
      %broadcast_in_dim3A_91 = arith.constant 0.000000e+00 : f32
      %broadcast_in_dim3A_92 = vector.broadcast %broadcast_in_dim3A_91 : f32 to vector<16xf32>
      %swap3A_93 = arith.index_cast %scan3A_61 : i32 to index
      %swap3A_94 = arith.constant 96 : index
      %swap3A_95 = tpu.vector_load %arg7[%swap3A_93, %swap3A_94] {strides = array<i32>} : memref<32x128xf32, #tpu.memory_space<vmem>>, vector<16xf32>,
      tpu.vector_store %arg7[%swap3A_93, %swap3A_94], %broadcast_in_dim3A_92 {strides = array<i32>} : memref<32x128xf32, #tpu.memory_space<vmem>>, vector<16xf32>,
      %broadcast_in_dim3A_96 = arith.constant 0.000000e+00 : f32
      %broadcast_in_dim3A_97 = vector.broadcast %broadcast_in_dim3A_96 : f32 to vector<16xf32>
      %swap3A_98 = arith.index_cast %scan3A_61 : i32 to index
      %swap3A_99 = arith.constant 112 : index
      %swap3A_100 = tpu.vector_load %arg7[%swap3A_98, %swap3A_99] {strides = array<i32>} : memref<32x128xf32, #tpu.memory_space<vmem>>, vector<16xf32>,
      tpu.vector_store %arg7[%swap3A_98, %swap3A_99], %broadcast_in_dim3A_97 {strides = array<i32>} : memref<32x128xf32, #tpu.memory_space<vmem>>, vector<16xf32>,
      %scan3A_101 = arith.constant 0 : i32
      scf.yield %scan3A_101 : i32
    }
    %scan3A_12 = arith.constant 32 : i32
    %scan3A_13 = arith.constant 0 : i32
    %scan3A_14 = arith.constant 0 : i32
    %scan3A_15 = arith.constant 312 : i32
    %scan3A_16 = arith.addi %scan3A_14, %scan3A_15 : i32
    %scan3A_17 = arith.constant 1 : i32
    %scan3A_18 = scf.for %scan3A_61 = %scan3A_14 to %scan3A_16 step %scan3A_17 iter_args(%scan3A_62 = %scan3A_13) -> (i32)  : i32 {
      %mul3A_63 = arith.constant 16 : i32
      %mul3A_64 = arith.muli %scan3A_61, %mul3A_63 : i32
      %get3A_65 = arith.index_cast %mul3A_64 : i32 to index
      %get3A_66 = tpu.vector_load %arg5[%get3A_65] {strides = array<i32>} : memref<5008xf32, #tpu.memory_space<vmem>>, vector<16xf32>,
      %mul3A_67 = arith.constant 16 : i32
      %mul3A_68 = arith.muli %scan3A_61, %mul3A_67 : i32
      %get3A_69 = arith.index_cast %mul3A_68 : i32 to index
      %get3A_70 = tpu.vector_load %arg6[%get3A_69] {strides = array<i32>} : memref<5008xi32, #tpu.memory_space<vmem>>, vector<16xi32>,
      %shift_right_arithmetic3A_71 = arith.constant 7 : i32
      %shift_right_arithmetic3A_72 = vector.broadcast %shift_right_arithmetic3A_71 : i32 to vector<16xi32>
      %shift_right_arithmetic3A_73 = arith.shrsi %get3A_70, %shift_right_arithmetic3A_72 : vector<16xi32>
      %and3A_74 = arith.constant 127 : i32
      %and3A_75 = vector.broadcast %and3A_74 : i32 to vector<16xi32>
      %and3A_76 = arith.andi %get3A_70, %and3A_75 : vector<16xi32>
      tpu.vector_store_idx %arg7[%shift_right_arithmetic3A_73, %and3A_76], %get3A_66 {add = true} : memref<32x128xf32, #tpu.memory_space<vmem>>[vector<16xi32>, vector<16xi32>], vector<16xf32>,
      %scan3A_77 = arith.constant 0 : i32
      scf.yield %scan3A_77 : i32
    }
    %scan3A_19 = arith.constant 312 : i32
    %get3A = arith.constant 4992 : index
    %get3A_20 = tpu.vector_load %arg5[%get3A] {strides = array<i32>} : memref<5008xf32, #tpu.memory_space<vmem>>, vector<16xf32>,
    %get3A_21 = arith.constant 4992 : index
    %get3A_22 = tpu.vector_load %arg6[%get3A_21] {strides = array<i32>} : memref<5008xi32, #tpu.memory_space<vmem>>, vector<16xi32>,
    %iota3A = tpu.iota {dimensions = array<i32: 0>} : vector<16xi32>
    %lt3A = arith.constant 8 : i32
    %lt3A_23 = vector.broadcast %lt3A : i32 to vector<16xi32>
    %lt3A_24 = arith.cmpi slt, %iota3A, %lt3A_23 : vector<16xi32>
    %shift_right_arithmetic3A = arith.constant 7 : i32
    %shift_right_arithmetic3A_25 = vector.broadcast %shift_right_arithmetic3A : i32 to vector<16xi32>
    %shift_right_arithmetic3A_26 = arith.shrsi %get3A_22, %shift_right_arithmetic3A_25 : vector<16xi32>
    %and3A = arith.constant 127 : i32
    %and3A_27 = vector.broadcast %and3A : i32 to vector<16xi32>
    %and3A_28 = arith.andi %get3A_22, %and3A_27 : vector<16xi32>
    tpu.vector_store_idx %arg7[%shift_right_arithmetic3A_26, %and3A_28], %get3A_20 masked %lt3A_24 {add = true} : memref<32x128xf32, #tpu.memory_space<vmem>>[vector<16xi32>, vector<16xi32>], vector<16xf32>, vector<16xi1>
    %jit3A = arith.constant 8 : i32
    %div3A = arith.divsi %add3A, %jit3A : i32
    %sign3A = arith.constant 0 : i32
    %sign3A_29 = arith.cmpi sgt, %add3A, %sign3A : i32
    %sign3A_30 = arith.extui %sign3A_29 : i1 to i32
    %sign3A_31 = arith.constant 0 : i32
    %sign3A_32 = arith.cmpi slt, %add3A, %sign3A_31 : i32
    %sign3A_33 = arith.extui %sign3A_32 : i1 to i32
    %sign3A_34 = arith.subi %sign3A_30, %sign3A_33 : i32
    %sign3A_35 = arith.constant 0 : i32
    %sign3A_36 = arith.cmpi sgt, %jit3A, %sign3A_35 : i32
    %sign3A_37 = arith.extui %sign3A_36 : i1 to i32
    %sign3A_38 = arith.constant 0 : i32
    %sign3A_39 = arith.cmpi slt, %jit3A, %sign3A_38 : i32
    %sign3A_40 = arith.extui %sign3A_39 : i1 to i32
    %sign3A_41 = arith.subi %sign3A_37, %sign3A_40 : i32
    %ne3A = arith.cmpi ne, %sign3A_34, %sign3A_41 : i32
    %rem3A = arith.remsi %add3A, %jit3A : i32
    %ne3A_42 = arith.constant 0 : i32
    %ne3A_43 = arith.cmpi ne, %rem3A, %ne3A_42 : i32
    %and3A_44 = arith.andi %ne3A, %ne3A_43 : i1
    %sub3A = arith.constant 1 : i32
    %sub3A_45 = arith.subi %div3A, %sub3A : i32
    %select_n3A = arith.select %and3A_44, %sub3A_45, %div3A : i32
    %jit3A_46 = arith.constant 8 : i32
    %eq3A = arith.constant 0 : i32
    %eq3A_47 = arith.cmpi eq, %jit3A_46, %eq3A : i32
    %jit3A_48 = arith.constant 1 : i32
    %select_n3A_49 = arith.select %eq3A_47, %jit3A_48, %jit3A_46 : i32
    %rem3A_50 = arith.remsi %add3A, %select_n3A_49 : i32
    %ne3A_51 = arith.constant 0 : i32
    %ne3A_52 = arith.cmpi ne, %rem3A_50, %ne3A_51 : i32
    %lt3A_53 = arith.constant 0 : i32
    %lt3A_54 = arith.cmpi slt, %rem3A_50, %lt3A_53 : i32
    %lt3A_55 = arith.constant 0 : i32
    %lt3A_56 = arith.cmpi slt, %select_n3A_49, %lt3A_55 : i32
    %ne3A_57 = arith.xori %lt3A_54, %lt3A_56 : i1
    %and3A_58 = arith.andi %ne3A_57, %ne3A_52 : i1
    %add3A_59 = arith.addi %rem3A_50, %select_n3A_49 : i32
    %select_n3A_60 = arith.select %and3A_58, %add3A_59, %rem3A_50 : i32
    "tpu.region"() ({
      %run_scoped3A = tpu.sem_alloc : memref<!tpu.dma_semaphore, #tpu.memory_space<semaphore_mem>>
      %dma_start3A = arith.constant 0 : i32
      %dma_start3A_61 = arith.constant 0 : i32
      %dma_start3A_62 = tpu.memref_slice %arg4[%select_n3A, %dma_start3A, %select_n3A_60, %dma_start3A_61] : memref<4x32x8x128xf32, #tpu.memory_space<hbm>> -> memref<1x32x1x128xf32, #tpu.memory_space<hbm>>
      %dma_start3A_63 = tpu.memref_squeeze %dma_start3A_62 : memref<1x32x1x128xf32, #tpu.memory_space<hbm>> -> memref<32x128xf32, #tpu.memory_space<hbm>>
      %dma_start3A_64 = arith.constant 0 : i32
      %dma_start3A_65 = arith.constant 0 : i32
      %dma_start3A_66 = tpu.memref_slice %arg4[%select_n3A, %dma_start3A_64, %select_n3A_60, %dma_start3A_65] : memref<4x32x8x128xf32, #tpu.memory_space<hbm>> -> memref<1x32x1x128xf32, #tpu.memory_space<hbm>>
      %dma_start3A_67 = tpu.memref_squeeze %dma_start3A_66 : memref<1x32x1x128xf32, #tpu.memory_space<hbm>> -> memref<32x128xf32, #tpu.memory_space<hbm>>
      tpu.enqueue_dma source(%arg7 : memref<32x128xf32, #tpu.memory_space<vmem>>) target(%dma_start3A_67 : memref<32x128xf32, #tpu.memory_space<hbm>>) target_semaphore(%run_scoped3A : memref<!tpu.dma_semaphore, #tpu.memory_space<semaphore_mem>>)
      %dma_wait3A = arith.constant 0 : i32
      %dma_wait3A_68 = arith.constant 0 : i32
      %dma_wait3A_69 = tpu.memref_slice %arg4[%select_n3A, %dma_wait3A, %select_n3A_60, %dma_wait3A_68] : memref<4x32x8x128xf32, #tpu.memory_space<hbm>> -> memref<1x32x1x128xf32, #tpu.memory_space<hbm>>
      %dma_wait3A_70 = tpu.memref_squeeze %dma_wait3A_69 : memref<1x32x1x128xf32, #tpu.memory_space<hbm>> -> memref<32x128xf32, #tpu.memory_space<hbm>>
      %dma_wait3A_71 = arith.constant 0 : i32
      %dma_wait3A_72 = arith.constant 0 : i32
      %dma_wait3A_73 = tpu.memref_slice %arg4[%select_n3A, %dma_wait3A_71, %select_n3A_60, %dma_wait3A_72] : memref<4x32x8x128xf32, #tpu.memory_space<hbm>> -> memref<1x32x1x128xf32, #tpu.memory_space<hbm>>
      %dma_wait3A_74 = tpu.memref_squeeze %dma_wait3A_73 : memref<1x32x1x128xf32, #tpu.memory_space<hbm>> -> memref<32x128xf32, #tpu.memory_space<hbm>>
      tpu.wait_dma2 semaphore(%run_scoped3A : memref<!tpu.dma_semaphore, #tpu.memory_space<semaphore_mem>>) src(%arg7 : memref<32x128xf32, #tpu.memory_space<vmem>>) dst(%dma_wait3A_74 : memref<32x128xf32, #tpu.memory_space<hbm>>)
      tpu.yield
    }) : () -> ()
    return
  }
}

#map = affine_map<(d0, d1) -> (0)>
#map1 = affine_map<(d0, d1) -> (0, 0, 0, 0)>
module attributes {stable_mosaic.version = 14 : i64} {
  func.func @_segsum_body(%arg0: i32, %arg1: i32, %arg2: memref<160000xf32, #tpu.memory_space<hbm>>, %arg3: memref<800000xi32, #tpu.memory_space<hbm>>, %arg4: memref<4x32x8x128xf32, #tpu.memory_space<hbm>>, %arg5: memref<5008xf32, #tpu.memory_space<vmem>>, %arg6: memref<5008xi32, #tpu.memory_space<vmem>>, %arg7: memref<32x128xf32, #tpu.memory_space<vmem>>) attributes {dimension_semantics = [#tpu.dimension_semantics<core_parallel>, #tpu.dimension_semantics<subcore_parallel>], iteration_bounds = array<i64: 2, 16>, scalar_prefetch = 0 : i64, scratch_operands = 3 : i64, tpu.core_type = #tpu.core_type<sc_vector_subcore>, window_params = [{transform_indices = #map}, {transform_indices = #map}, {transform_indices = #map1}]} {
    %mul3A = arith.constant 2 : i32
    %mul3A_0 = arith.muli %arg1, %mul3A : i32
    %add3A = arith.addi %mul3A_0, %arg0 : i32
    %mul3A_1 = arith.constant 5000 : i32
    %mul3A_2 = arith.muli %add3A, %mul3A_1 : i32
    %mul3A_3 = arith.constant 5000 : i32
    %mul3A_4 = arith.muli %add3A, %mul3A_3 : i32
    %add3A_5 = arith.constant 640000 : i32
    %add3A_6 = arith.addi %add3A_5, %mul3A_4 : i32
    "tpu.region"() ({
      %run_scoped3A = tpu.sem_alloc : memref<!tpu.dma_semaphore, #tpu.memory_space<semaphore_mem>>
      %dma_start3A = arith.constant 0 : i32
      %dma_start3A_61 = tpu.memref_slice %arg5[%dma_start3A] : memref<5008xf32, #tpu.memory_space<vmem>> -> memref<5000xf32, #tpu.memory_space<vmem>>
      %dma_start3A_62 = tpu.memref_slice %arg2[%mul3A_2] : memref<160000xf32, #tpu.memory_space<hbm>> -> memref<5000xf32, #tpu.memory_space<hbm>>
      %dma_start3A_63 = arith.constant 0 : i32
      %dma_start3A_64 = tpu.memref_slice %arg5[%dma_start3A_63] : memref<5008xf32, #tpu.memory_space<vmem>> -> memref<5000xf32, #tpu.memory_space<vmem>>
      %dma_start3A_65 = tpu.memref_slice %arg2[%mul3A_2] : memref<160000xf32, #tpu.memory_space<hbm>> -> memref<5000xf32, #tpu.memory_space<hbm>>
      tpu.enqueue_dma source(%dma_start3A_65 : memref<5000xf32, #tpu.memory_space<hbm>>) target(%dma_start3A_64 : memref<5000xf32, #tpu.memory_space<vmem>>) target_semaphore(%run_scoped3A : memref<!tpu.dma_semaphore, #tpu.memory_space<semaphore_mem>>)
      %dma_wait3A = arith.constant 0 : i32
      %dma_wait3A_66 = tpu.memref_slice %arg5[%dma_wait3A] : memref<5008xf32, #tpu.memory_space<vmem>> -> memref<5000xf32, #tpu.memory_space<vmem>>
      %dma_wait3A_67 = tpu.memref_slice %arg2[%mul3A_2] : memref<160000xf32, #tpu.memory_space<hbm>> -> memref<5000xf32, #tpu.memory_space<hbm>>
      %dma_wait3A_68 = arith.constant 0 : i32
      %dma_wait3A_69 = tpu.memref_slice %arg5[%dma_wait3A_68] : memref<5008xf32, #tpu.memory_space<vmem>> -> memref<5000xf32, #tpu.memory_space<vmem>>
      %dma_wait3A_70 = tpu.memref_slice %arg2[%mul3A_2] : memref<160000xf32, #tpu.memory_space<hbm>> -> memref<5000xf32, #tpu.memory_space<hbm>>
      tpu.wait_dma2 semaphore(%run_scoped3A : memref<!tpu.dma_semaphore, #tpu.memory_space<semaphore_mem>>) src(%dma_wait3A_70 : memref<5000xf32, #tpu.memory_space<hbm>>) dst(%dma_wait3A_69 : memref<5000xf32, #tpu.memory_space<vmem>>)
      tpu.yield
    }) : () -> ()
    "tpu.region"() ({
      %run_scoped3A = tpu.sem_alloc : memref<!tpu.dma_semaphore, #tpu.memory_space<semaphore_mem>>
      %dma_start3A = arith.constant 0 : i32
      %dma_start3A_61 = tpu.memref_slice %arg6[%dma_start3A] : memref<5008xi32, #tpu.memory_space<vmem>> -> memref<5000xi32, #tpu.memory_space<vmem>>
      %dma_start3A_62 = tpu.memref_slice %arg3[%add3A_6] : memref<800000xi32, #tpu.memory_space<hbm>> -> memref<5000xi32, #tpu.memory_space<hbm>>
      %dma_start3A_63 = arith.constant 0 : i32
      %dma_start3A_64 = tpu.memref_slice %arg6[%dma_start3A_63] : memref<5008xi32, #tpu.memory_space<vmem>> -> memref<5000xi32, #tpu.memory_space<vmem>>
      %dma_start3A_65 = tpu.memref_slice %arg3[%add3A_6] : memref<800000xi32, #tpu.memory_space<hbm>> -> memref<5000xi32, #tpu.memory_space<hbm>>
      tpu.enqueue_dma source(%dma_start3A_65 : memref<5000xi32, #tpu.memory_space<hbm>>) target(%dma_start3A_64 : memref<5000xi32, #tpu.memory_space<vmem>>) target_semaphore(%run_scoped3A : memref<!tpu.dma_semaphore, #tpu.memory_space<semaphore_mem>>)
      %dma_wait3A = arith.constant 0 : i32
      %dma_wait3A_66 = tpu.memref_slice %arg6[%dma_wait3A] : memref<5008xi32, #tpu.memory_space<vmem>> -> memref<5000xi32, #tpu.memory_space<vmem>>
      %dma_wait3A_67 = tpu.memref_slice %arg3[%add3A_6] : memref<800000xi32, #tpu.memory_space<hbm>> -> memref<5000xi32, #tpu.memory_space<hbm>>
      %dma_wait3A_68 = arith.constant 0 : i32
      %dma_wait3A_69 = tpu.memref_slice %arg6[%dma_wait3A_68] : memref<5008xi32, #tpu.memory_space<vmem>> -> memref<5000xi32, #tpu.memory_space<vmem>>
      %dma_wait3A_70 = tpu.memref_slice %arg3[%add3A_6] : memref<800000xi32, #tpu.memory_space<hbm>> -> memref<5000xi32, #tpu.memory_space<hbm>>
      tpu.wait_dma2 semaphore(%run_scoped3A : memref<!tpu.dma_semaphore, #tpu.memory_space<semaphore_mem>>) src(%dma_wait3A_70 : memref<5000xi32, #tpu.memory_space<hbm>>) dst(%dma_wait3A_69 : memref<5000xi32, #tpu.memory_space<vmem>>)
      tpu.yield
    }) : () -> ()
    %scan3A = arith.constant 0 : i32
    %scan3A_7 = arith.constant 0 : i32
    %scan3A_8 = arith.constant 32 : i32
    %scan3A_9 = arith.addi %scan3A_7, %scan3A_8 : i32
    %scan3A_10 = arith.constant 1 : i32
    %scan3A_11 = scf.for %scan3A_61 = %scan3A_7 to %scan3A_9 step %scan3A_10 iter_args(%scan3A_62 = %scan3A) -> (i32)  : i32 {
      %broadcast_in_dim3A = arith.constant 0.000000e+00 : f32
      %broadcast_in_dim3A_63 = vector.broadcast %broadcast_in_dim3A : f32 to vector<16xf32>
      %swap3A = arith.index_cast %scan3A_61 : i32 to index
      %swap3A_64 = arith.constant 0 : index
      %swap3A_65 = tpu.vector_load %arg7[%swap3A, %swap3A_64] {strides = array<i32>} : memref<32x128xf32, #tpu.memory_space<vmem>>, vector<16xf32>,
      tpu.vector_store %arg7[%swap3A, %swap3A_64], %broadcast_in_dim3A_63 {strides = array<i32>} : memref<32x128xf32, #tpu.memory_space<vmem>>, vector<16xf32>,
      %broadcast_in_dim3A_66 = arith.constant 0.000000e+00 : f32
      %broadcast_in_dim3A_67 = vector.broadcast %broadcast_in_dim3A_66 : f32 to vector<16xf32>
      %swap3A_68 = arith.index_cast %scan3A_61 : i32 to index
      %swap3A_69 = arith.constant 16 : index
      %swap3A_70 = tpu.vector_load %arg7[%swap3A_68, %swap3A_69] {strides = array<i32>} : memref<32x128xf32, #tpu.memory_space<vmem>>, vector<16xf32>,
      tpu.vector_store %arg7[%swap3A_68, %swap3A_69], %broadcast_in_dim3A_67 {strides = array<i32>} : memref<32x128xf32, #tpu.memory_space<vmem>>, vector<16xf32>,
      %broadcast_in_dim3A_71 = arith.constant 0.000000e+00 : f32
      %broadcast_in_dim3A_72 = vector.broadcast %broadcast_in_dim3A_71 : f32 to vector<16xf32>
      %swap3A_73 = arith.index_cast %scan3A_61 : i32 to index
      %swap3A_74 = arith.constant 32 : index
      %swap3A_75 = tpu.vector_load %arg7[%swap3A_73, %swap3A_74] {strides = array<i32>} : memref<32x128xf32, #tpu.memory_space<vmem>>, vector<16xf32>,
      tpu.vector_store %arg7[%swap3A_73, %swap3A_74], %broadcast_in_dim3A_72 {strides = array<i32>} : memref<32x128xf32, #tpu.memory_space<vmem>>, vector<16xf32>,
      %broadcast_in_dim3A_76 = arith.constant 0.000000e+00 : f32
      %broadcast_in_dim3A_77 = vector.broadcast %broadcast_in_dim3A_76 : f32 to vector<16xf32>
      %swap3A_78 = arith.index_cast %scan3A_61 : i32 to index
      %swap3A_79 = arith.constant 48 : index
      %swap3A_80 = tpu.vector_load %arg7[%swap3A_78, %swap3A_79] {strides = array<i32>} : memref<32x128xf32, #tpu.memory_space<vmem>>, vector<16xf32>,
      tpu.vector_store %arg7[%swap3A_78, %swap3A_79], %broadcast_in_dim3A_77 {strides = array<i32>} : memref<32x128xf32, #tpu.memory_space<vmem>>, vector<16xf32>,
      %broadcast_in_dim3A_81 = arith.constant 0.000000e+00 : f32
      %broadcast_in_dim3A_82 = vector.broadcast %broadcast_in_dim3A_81 : f32 to vector<16xf32>
      %swap3A_83 = arith.index_cast %scan3A_61 : i32 to index
      %swap3A_84 = arith.constant 64 : index
      %swap3A_85 = tpu.vector_load %arg7[%swap3A_83, %swap3A_84] {strides = array<i32>} : memref<32x128xf32, #tpu.memory_space<vmem>>, vector<16xf32>,
      tpu.vector_store %arg7[%swap3A_83, %swap3A_84], %broadcast_in_dim3A_82 {strides = array<i32>} : memref<32x128xf32, #tpu.memory_space<vmem>>, vector<16xf32>,
      %broadcast_in_dim3A_86 = arith.constant 0.000000e+00 : f32
      %broadcast_in_dim3A_87 = vector.broadcast %broadcast_in_dim3A_86 : f32 to vector<16xf32>
      %swap3A_88 = arith.index_cast %scan3A_61 : i32 to index
      %swap3A_89 = arith.constant 80 : index
      %swap3A_90 = tpu.vector_load %arg7[%swap3A_88, %swap3A_89] {strides = array<i32>} : memref<32x128xf32, #tpu.memory_space<vmem>>, vector<16xf32>,
      tpu.vector_store %arg7[%swap3A_88, %swap3A_89], %broadcast_in_dim3A_87 {strides = array<i32>} : memref<32x128xf32, #tpu.memory_space<vmem>>, vector<16xf32>,
      %broadcast_in_dim3A_91 = arith.constant 0.000000e+00 : f32
      %broadcast_in_dim3A_92 = vector.broadcast %broadcast_in_dim3A_91 : f32 to vector<16xf32>
      %swap3A_93 = arith.index_cast %scan3A_61 : i32 to index
      %swap3A_94 = arith.constant 96 : index
      %swap3A_95 = tpu.vector_load %arg7[%swap3A_93, %swap3A_94] {strides = array<i32>} : memref<32x128xf32, #tpu.memory_space<vmem>>, vector<16xf32>,
      tpu.vector_store %arg7[%swap3A_93, %swap3A_94], %broadcast_in_dim3A_92 {strides = array<i32>} : memref<32x128xf32, #tpu.memory_space<vmem>>, vector<16xf32>,
      %broadcast_in_dim3A_96 = arith.constant 0.000000e+00 : f32
      %broadcast_in_dim3A_97 = vector.broadcast %broadcast_in_dim3A_96 : f32 to vector<16xf32>
      %swap3A_98 = arith.index_cast %scan3A_61 : i32 to index
      %swap3A_99 = arith.constant 112 : index
      %swap3A_100 = tpu.vector_load %arg7[%swap3A_98, %swap3A_99] {strides = array<i32>} : memref<32x128xf32, #tpu.memory_space<vmem>>, vector<16xf32>,
      tpu.vector_store %arg7[%swap3A_98, %swap3A_99], %broadcast_in_dim3A_97 {strides = array<i32>} : memref<32x128xf32, #tpu.memory_space<vmem>>, vector<16xf32>,
      %scan3A_101 = arith.constant 0 : i32
      scf.yield %scan3A_101 : i32
    }
    %scan3A_12 = arith.constant 32 : i32
    %scan3A_13 = arith.constant 0 : i32
    %scan3A_14 = arith.constant 0 : i32
    %scan3A_15 = arith.constant 312 : i32
    %scan3A_16 = arith.addi %scan3A_14, %scan3A_15 : i32
    %scan3A_17 = arith.constant 1 : i32
    %scan3A_18 = scf.for %scan3A_61 = %scan3A_14 to %scan3A_16 step %scan3A_17 iter_args(%scan3A_62 = %scan3A_13) -> (i32)  : i32 {
      %mul3A_63 = arith.constant 16 : i32
      %mul3A_64 = arith.muli %scan3A_61, %mul3A_63 : i32
      %get3A_65 = arith.index_cast %mul3A_64 : i32 to index
      %get3A_66 = tpu.vector_load %arg5[%get3A_65] {strides = array<i32>} : memref<5008xf32, #tpu.memory_space<vmem>>, vector<16xf32>,
      %mul3A_67 = arith.constant 16 : i32
      %mul3A_68 = arith.muli %scan3A_61, %mul3A_67 : i32
      %get3A_69 = arith.index_cast %mul3A_68 : i32 to index
      %get3A_70 = tpu.vector_load %arg6[%get3A_69] {strides = array<i32>} : memref<5008xi32, #tpu.memory_space<vmem>>, vector<16xi32>,
      %shift_right_arithmetic3A_71 = arith.constant 7 : i32
      %shift_right_arithmetic3A_72 = vector.broadcast %shift_right_arithmetic3A_71 : i32 to vector<16xi32>
      %shift_right_arithmetic3A_73 = arith.shrsi %get3A_70, %shift_right_arithmetic3A_72 : vector<16xi32>
      %and3A_74 = arith.constant 127 : i32
      %and3A_75 = vector.broadcast %and3A_74 : i32 to vector<16xi32>
      %and3A_76 = arith.andi %get3A_70, %and3A_75 : vector<16xi32>
      tpu.vector_store_idx %arg7[%shift_right_arithmetic3A_73, %and3A_76], %get3A_66 {add = true} : memref<32x128xf32, #tpu.memory_space<vmem>>[vector<16xi32>, vector<16xi32>], vector<16xf32>,
      %scan3A_77 = arith.constant 0 : i32
      scf.yield %scan3A_77 : i32
    }
    %scan3A_19 = arith.constant 312 : i32
    %get3A = arith.constant 4992 : index
    %get3A_20 = tpu.vector_load %arg5[%get3A] {strides = array<i32>} : memref<5008xf32, #tpu.memory_space<vmem>>, vector<16xf32>,
    %get3A_21 = arith.constant 4992 : index
    %get3A_22 = tpu.vector_load %arg6[%get3A_21] {strides = array<i32>} : memref<5008xi32, #tpu.memory_space<vmem>>, vector<16xi32>,
    %iota3A = tpu.iota {dimensions = array<i32: 0>} : vector<16xi32>
    %lt3A = arith.constant 8 : i32
    %lt3A_23 = vector.broadcast %lt3A : i32 to vector<16xi32>
    %lt3A_24 = arith.cmpi slt, %iota3A, %lt3A_23 : vector<16xi32>
    %shift_right_arithmetic3A = arith.constant 7 : i32
    %shift_right_arithmetic3A_25 = vector.broadcast %shift_right_arithmetic3A : i32 to vector<16xi32>
    %shift_right_arithmetic3A_26 = arith.shrsi %get3A_22, %shift_right_arithmetic3A_25 : vector<16xi32>
    %and3A = arith.constant 127 : i32
    %and3A_27 = vector.broadcast %and3A : i32 to vector<16xi32>
    %and3A_28 = arith.andi %get3A_22, %and3A_27 : vector<16xi32>
    tpu.vector_store_idx %arg7[%shift_right_arithmetic3A_26, %and3A_28], %get3A_20 masked %lt3A_24 {add = true} : memref<32x128xf32, #tpu.memory_space<vmem>>[vector<16xi32>, vector<16xi32>], vector<16xf32>, vector<16xi1>
    %jit3A = arith.constant 8 : i32
    %div3A = arith.divsi %add3A, %jit3A : i32
    %sign3A = arith.constant 0 : i32
    %sign3A_29 = arith.cmpi sgt, %add3A, %sign3A : i32
    %sign3A_30 = arith.extui %sign3A_29 : i1 to i32
    %sign3A_31 = arith.constant 0 : i32
    %sign3A_32 = arith.cmpi slt, %add3A, %sign3A_31 : i32
    %sign3A_33 = arith.extui %sign3A_32 : i1 to i32
    %sign3A_34 = arith.subi %sign3A_30, %sign3A_33 : i32
    %sign3A_35 = arith.constant 0 : i32
    %sign3A_36 = arith.cmpi sgt, %jit3A, %sign3A_35 : i32
    %sign3A_37 = arith.extui %sign3A_36 : i1 to i32
    %sign3A_38 = arith.constant 0 : i32
    %sign3A_39 = arith.cmpi slt, %jit3A, %sign3A_38 : i32
    %sign3A_40 = arith.extui %sign3A_39 : i1 to i32
    %sign3A_41 = arith.subi %sign3A_37, %sign3A_40 : i32
    %ne3A = arith.cmpi ne, %sign3A_34, %sign3A_41 : i32
    %rem3A = arith.remsi %add3A, %jit3A : i32
    %ne3A_42 = arith.constant 0 : i32
    %ne3A_43 = arith.cmpi ne, %rem3A, %ne3A_42 : i32
    %and3A_44 = arith.andi %ne3A, %ne3A_43 : i1
    %sub3A = arith.constant 1 : i32
    %sub3A_45 = arith.subi %div3A, %sub3A : i32
    %select_n3A = arith.select %and3A_44, %sub3A_45, %div3A : i32
    %jit3A_46 = arith.constant 8 : i32
    %eq3A = arith.constant 0 : i32
    %eq3A_47 = arith.cmpi eq, %jit3A_46, %eq3A : i32
    %jit3A_48 = arith.constant 1 : i32
    %select_n3A_49 = arith.select %eq3A_47, %jit3A_48, %jit3A_46 : i32
    %rem3A_50 = arith.remsi %add3A, %select_n3A_49 : i32
    %ne3A_51 = arith.constant 0 : i32
    %ne3A_52 = arith.cmpi ne, %rem3A_50, %ne3A_51 : i32
    %lt3A_53 = arith.constant 0 : i32
    %lt3A_54 = arith.cmpi slt, %rem3A_50, %lt3A_53 : i32
    %lt3A_55 = arith.constant 0 : i32
    %lt3A_56 = arith.cmpi slt, %select_n3A_49, %lt3A_55 : i32
    %ne3A_57 = arith.xori %lt3A_54, %lt3A_56 : i1
    %and3A_58 = arith.andi %ne3A_57, %ne3A_52 : i1
    %add3A_59 = arith.addi %rem3A_50, %select_n3A_49 : i32
    %select_n3A_60 = arith.select %and3A_58, %add3A_59, %rem3A_50 : i32
    "tpu.region"() ({
      %run_scoped3A = tpu.sem_alloc : memref<!tpu.dma_semaphore, #tpu.memory_space<semaphore_mem>>
      %dma_start3A = arith.constant 0 : i32
      %dma_start3A_61 = arith.constant 0 : i32
      %dma_start3A_62 = tpu.memref_slice %arg4[%select_n3A, %dma_start3A, %select_n3A_60, %dma_start3A_61] : memref<4x32x8x128xf32, #tpu.memory_space<hbm>> -> memref<1x32x1x128xf32, #tpu.memory_space<hbm>>
      %dma_start3A_63 = tpu.memref_squeeze %dma_start3A_62 : memref<1x32x1x128xf32, #tpu.memory_space<hbm>> -> memref<32x128xf32, #tpu.memory_space<hbm>>
      %dma_start3A_64 = arith.constant 0 : i32
      %dma_start3A_65 = arith.constant 0 : i32
      %dma_start3A_66 = tpu.memref_slice %arg4[%select_n3A, %dma_start3A_64, %select_n3A_60, %dma_start3A_65] : memref<4x32x8x128xf32, #tpu.memory_space<hbm>> -> memref<1x32x1x128xf32, #tpu.memory_space<hbm>>
      %dma_start3A_67 = tpu.memref_squeeze %dma_start3A_66 : memref<1x32x1x128xf32, #tpu.memory_space<hbm>> -> memref<32x128xf32, #tpu.memory_space<hbm>>
      tpu.enqueue_dma source(%arg7 : memref<32x128xf32, #tpu.memory_space<vmem>>) target(%dma_start3A_67 : memref<32x128xf32, #tpu.memory_space<hbm>>) target_semaphore(%run_scoped3A : memref<!tpu.dma_semaphore, #tpu.memory_space<semaphore_mem>>)
      %dma_wait3A = arith.constant 0 : i32
      %dma_wait3A_68 = arith.constant 0 : i32
      %dma_wait3A_69 = tpu.memref_slice %arg4[%select_n3A, %dma_wait3A, %select_n3A_60, %dma_wait3A_68] : memref<4x32x8x128xf32, #tpu.memory_space<hbm>> -> memref<1x32x1x128xf32, #tpu.memory_space<hbm>>
      %dma_wait3A_70 = tpu.memref_squeeze %dma_wait3A_69 : memref<1x32x1x128xf32, #tpu.memory_space<hbm>> -> memref<32x128xf32, #tpu.memory_space<hbm>>
      %dma_wait3A_71 = arith.constant 0 : i32
      %dma_wait3A_72 = arith.constant 0 : i32
      %dma_wait3A_73 = tpu.memref_slice %arg4[%select_n3A, %dma_wait3A_71, %select_n3A_60, %dma_wait3A_72] : memref<4x32x8x128xf32, #tpu.memory_space<hbm>> -> memref<1x32x1x128xf32, #tpu.memory_space<hbm>>
      %dma_wait3A_74 = tpu.memref_squeeze %dma_wait3A_73 : memref<1x32x1x128xf32, #tpu.memory_space<hbm>> -> memref<32x128xf32, #tpu.memory_space<hbm>>
      tpu.wait_dma2 semaphore(%run_scoped3A : memref<!tpu.dma_semaphore, #tpu.memory_space<semaphore_mem>>) src(%arg7 : memref<32x128xf32, #tpu.memory_space<vmem>>) dst(%dma_wait3A_74 : memref<32x128xf32, #tpu.memory_space<hbm>>)
      tpu.yield
    }) : () -> ()
    return
  }
}

module attributes {stable_mosaic.version = 14 : i64} {
  func.func @_matvec_body(%arg0: i32, %arg1: memref<1x125x128x64xf32, #tpu.memory_space<vmem>>, %arg2: memref<1x64xf32, #tpu.memory_space<vmem>>, %arg3: memref<1x125x128xf32, #tpu.memory_space<vmem>>) attributes {dimension_semantics = [#tpu.dimension_semantics<arbitrary>], iteration_bounds = array<i64: 10>, scalar_prefetch = 0 : i64, scratch_operands = 0 : i64, tpu.core_type = #tpu.core_type<tc>, window_params = [{transform_indices = @transform_0, window_bounds = array<i64: 1, 125, 128, 64>}, {pipeline_mode = #tpu.pipeline_mode<synchronous>, transform_indices = @transform_1, window_bounds = array<i64: 1, 64>}, {transform_indices = @transform_2, window_bounds = array<i64: 1, 125, 128>}]} {
    %get3A = arith.constant 0 : index
    %get3A_0 = arith.constant 0 : index
    %get3A_1 = arith.constant 0 : index
    %get3A_2 = arith.constant 0 : index
    %get3A_3 = vector.load %arg1[%get3A, %get3A_0, %get3A_1, %get3A_2] : memref<1x125x128x64xf32, #tpu.memory_space<vmem>>, vector<1x125x128x64xf32>
    %get3A_4 = arith.constant 0 : index
    %get3A_5 = arith.constant 0 : index
    %get3A_6 = vector.load %arg2[%get3A_4, %get3A_5] : memref<1x64xf32, #tpu.memory_space<vmem>>, vector<1x64xf32>
    %broadcast_in_dim3A = vector.shape_cast %get3A_6 : vector<1x64xf32> to vector<1x1x1x64xf32>
    %mul3A = vector.broadcast %broadcast_in_dim3A : vector<1x1x1x64xf32> to vector<1x125x128x64xf32>
    %mul3A_7 = arith.mulf %get3A_3, %mul3A : vector<1x125x128x64xf32>
    %reduce_sum3A = arith.constant dense<0.000000e+00> : vector<1x125x128xf32>
    %reduce_sum3A_8 = vector.multi_reduction <add>, %mul3A_7, %reduce_sum3A [3] : vector<1x125x128x64xf32> to vector<1x125x128xf32>
    %swap3A = arith.constant 0 : index
    %swap3A_9 = arith.constant 0 : index
    %swap3A_10 = arith.constant 0 : index
    %swap3A_11 = vector.load %arg3[%swap3A, %swap3A_9, %swap3A_10] : memref<1x125x128xf32, #tpu.memory_space<vmem>>, vector<1x125x128xf32>
    tpu.vector_store %arg3[%swap3A, %swap3A_9, %swap3A_10], %reduce_sum3A_8 {strides = array<i32>} : memref<1x125x128xf32, #tpu.memory_space<vmem>>, vector<1x125x128xf32>,
    return
  }
  func.func @transform_0(%arg0: i32) -> (i32, i32, i32, i32) {
    %add3A = arith.constant 0 : i32
    %add3A_0 = arith.addi %add3A, %arg0 : i32
    %c0_i32 = arith.constant 0 : i32
    %c0_i32_1 = arith.constant 0 : i32
    %c0_i32_2 = arith.constant 0 : i32
    %c0_i32_3 = arith.constant 0 : i32
    return %add3A_0, %c0_i32, %c0_i32_1, %c0_i32_2 : i32, i32, i32, i32
  }
  func.func @transform_1(%arg0: i32) -> (i32, i32) {
    %c0_i32 = arith.constant 0 : i32
    %c0_i32_0 = arith.constant 0 : i32
    %c0_i32_1 = arith.constant 0 : i32
    return %c0_i32, %c0_i32_0 : i32, i32
  }
  func.func @transform_2(%arg0: i32) -> (i32, i32, i32) {
    %c0_i32 = arith.constant 0 : i32
    %c0_i32_0 = arith.constant 0 : i32
    %c0_i32_1 = arith.constant 0 : i32
    return %arg0, %c0_i32, %c0_i32_0 : i32, i32, i32
  }
}

module attributes {stable_mosaic.version = 14 : i64} {
  func.func @_matvec_body(%arg0: i32, %arg1: memref<1x125x128x64xf32, #tpu.memory_space<vmem>>, %arg2: memref<1x64xf32, #tpu.memory_space<vmem>>, %arg3: memref<1x125x128xf32, #tpu.memory_space<vmem>>) attributes {dimension_semantics = [#tpu.dimension_semantics<arbitrary>], iteration_bounds = array<i64: 10>, scalar_prefetch = 0 : i64, scratch_operands = 0 : i64, tpu.core_type = #tpu.core_type<tc>, window_params = [{transform_indices = @transform_0, window_bounds = array<i64: 1, 125, 128, 64>}, {pipeline_mode = #tpu.pipeline_mode<synchronous>, transform_indices = @transform_1, window_bounds = array<i64: 1, 64>}, {transform_indices = @transform_2, window_bounds = array<i64: 1, 125, 128>}]} {
    %get3A = arith.constant 0 : index
    %get3A_0 = arith.constant 0 : index
    %get3A_1 = arith.constant 0 : index
    %get3A_2 = arith.constant 0 : index
    %get3A_3 = vector.load %arg1[%get3A, %get3A_0, %get3A_1, %get3A_2] : memref<1x125x128x64xf32, #tpu.memory_space<vmem>>, vector<1x125x128x64xf32>
    %get3A_4 = arith.constant 0 : index
    %get3A_5 = arith.constant 0 : index
    %get3A_6 = vector.load %arg2[%get3A_4, %get3A_5] : memref<1x64xf32, #tpu.memory_space<vmem>>, vector<1x64xf32>
    %broadcast_in_dim3A = vector.shape_cast %get3A_6 : vector<1x64xf32> to vector<1x1x1x64xf32>
    %mul3A = vector.broadcast %broadcast_in_dim3A : vector<1x1x1x64xf32> to vector<1x125x128x64xf32>
    %mul3A_7 = arith.mulf %get3A_3, %mul3A : vector<1x125x128x64xf32>
    %reduce_sum3A = arith.constant dense<0.000000e+00> : vector<1x125x128xf32>
    %reduce_sum3A_8 = vector.multi_reduction <add>, %mul3A_7, %reduce_sum3A [3] : vector<1x125x128x64xf32> to vector<1x125x128xf32>
    %swap3A = arith.constant 0 : index
    %swap3A_9 = arith.constant 0 : index
    %swap3A_10 = arith.constant 0 : index
    %swap3A_11 = vector.load %arg3[%swap3A, %swap3A_9, %swap3A_10] : memref<1x125x128xf32, #tpu.memory_space<vmem>>, vector<1x125x128xf32>
    tpu.vector_store %arg3[%swap3A, %swap3A_9, %swap3A_10], %reduce_sum3A_8 {strides = array<i32>} : memref<1x125x128xf32, #tpu.memory_space<vmem>>, vector<1x125x128xf32>,
    return
  }
  func.func @transform_0(%arg0: i32) -> (i32, i32, i32, i32) {
    %add3A = arith.constant 10 : i32
    %add3A_0 = arith.addi %add3A, %arg0 : i32
    %c0_i32 = arith.constant 0 : i32
    %c0_i32_1 = arith.constant 0 : i32
    %c0_i32_2 = arith.constant 0 : i32
    %c0_i32_3 = arith.constant 0 : i32
    return %add3A_0, %c0_i32, %c0_i32_1, %c0_i32_2 : i32, i32, i32, i32
  }
  func.func @transform_1(%arg0: i32) -> (i32, i32) {
    %c0_i32 = arith.constant 0 : i32
    %c0_i32_0 = arith.constant 0 : i32
    %c0_i32_1 = arith.constant 0 : i32
    return %c0_i32, %c0_i32_0 : i32, i32
  }
  func.func @transform_2(%arg0: i32) -> (i32, i32, i32) {
    %c0_i32 = arith.constant 0 : i32
    %c0_i32_0 = arith.constant 0 : i32
    %c0_i32_1 = arith.constant 0 : i32
    return %arg0, %c0_i32, %c0_i32_0 : i32, i32, i32
  }
}

module attributes {stable_mosaic.version = 14 : i64} {
  func.func @_matvec_body(%arg0: i32, %arg1: memref<1x125x128x64xf32, #tpu.memory_space<vmem>>, %arg2: memref<1x64xf32, #tpu.memory_space<vmem>>, %arg3: memref<1x125x128xf32, #tpu.memory_space<vmem>>) attributes {dimension_semantics = [#tpu.dimension_semantics<arbitrary>], iteration_bounds = array<i64: 10>, scalar_prefetch = 0 : i64, scratch_operands = 0 : i64, tpu.core_type = #tpu.core_type<tc>, window_params = [{transform_indices = @transform_0, window_bounds = array<i64: 1, 125, 128, 64>}, {pipeline_mode = #tpu.pipeline_mode<synchronous>, transform_indices = @transform_1, window_bounds = array<i64: 1, 64>}, {transform_indices = @transform_2, window_bounds = array<i64: 1, 125, 128>}]} {
    %get3A = arith.constant 0 : index
    %get3A_0 = arith.constant 0 : index
    %get3A_1 = arith.constant 0 : index
    %get3A_2 = arith.constant 0 : index
    %get3A_3 = vector.load %arg1[%get3A, %get3A_0, %get3A_1, %get3A_2] : memref<1x125x128x64xf32, #tpu.memory_space<vmem>>, vector<1x125x128x64xf32>
    %get3A_4 = arith.constant 0 : index
    %get3A_5 = arith.constant 0 : index
    %get3A_6 = vector.load %arg2[%get3A_4, %get3A_5] : memref<1x64xf32, #tpu.memory_space<vmem>>, vector<1x64xf32>
    %broadcast_in_dim3A = vector.shape_cast %get3A_6 : vector<1x64xf32> to vector<1x1x1x64xf32>
    %mul3A = vector.broadcast %broadcast_in_dim3A : vector<1x1x1x64xf32> to vector<1x125x128x64xf32>
    %mul3A_7 = arith.mulf %get3A_3, %mul3A : vector<1x125x128x64xf32>
    %reduce_sum3A = arith.constant dense<0.000000e+00> : vector<1x125x128xf32>
    %reduce_sum3A_8 = vector.multi_reduction <add>, %mul3A_7, %reduce_sum3A [3] : vector<1x125x128x64xf32> to vector<1x125x128xf32>
    %swap3A = arith.constant 0 : index
    %swap3A_9 = arith.constant 0 : index
    %swap3A_10 = arith.constant 0 : index
    %swap3A_11 = vector.load %arg3[%swap3A, %swap3A_9, %swap3A_10] : memref<1x125x128xf32, #tpu.memory_space<vmem>>, vector<1x125x128xf32>
    tpu.vector_store %arg3[%swap3A, %swap3A_9, %swap3A_10], %reduce_sum3A_8 {strides = array<i32>} : memref<1x125x128xf32, #tpu.memory_space<vmem>>, vector<1x125x128xf32>,
    return
  }
  func.func @transform_0(%arg0: i32) -> (i32, i32, i32, i32) {
    %add3A = arith.constant 20 : i32
    %add3A_0 = arith.addi %add3A, %arg0 : i32
    %c0_i32 = arith.constant 0 : i32
    %c0_i32_1 = arith.constant 0 : i32
    %c0_i32_2 = arith.constant 0 : i32
    %c0_i32_3 = arith.constant 0 : i32
    return %add3A_0, %c0_i32, %c0_i32_1, %c0_i32_2 : i32, i32, i32, i32
  }
  func.func @transform_1(%arg0: i32) -> (i32, i32) {
    %c0_i32 = arith.constant 0 : i32
    %c0_i32_0 = arith.constant 0 : i32
    %c0_i32_1 = arith.constant 0 : i32
    return %c0_i32, %c0_i32_0 : i32, i32
  }
  func.func @transform_2(%arg0: i32) -> (i32, i32, i32) {
    %c0_i32 = arith.constant 0 : i32
    %c0_i32_0 = arith.constant 0 : i32
    %c0_i32_1 = arith.constant 0 : i32
    return %arg0, %c0_i32, %c0_i32_0 : i32, i32, i32
  }
}

module attributes {stable_mosaic.version = 14 : i64} {
  func.func @_matvec_body(%arg0: i32, %arg1: memref<1x125x128x64xf32, #tpu.memory_space<vmem>>, %arg2: memref<1x64xf32, #tpu.memory_space<vmem>>, %arg3: memref<1x125x128xf32, #tpu.memory_space<vmem>>) attributes {dimension_semantics = [#tpu.dimension_semantics<arbitrary>], iteration_bounds = array<i64: 10>, scalar_prefetch = 0 : i64, scratch_operands = 0 : i64, tpu.core_type = #tpu.core_type<tc>, window_params = [{transform_indices = @transform_0, window_bounds = array<i64: 1, 125, 128, 64>}, {pipeline_mode = #tpu.pipeline_mode<synchronous>, transform_indices = @transform_1, window_bounds = array<i64: 1, 64>}, {transform_indices = @transform_2, window_bounds = array<i64: 1, 125, 128>}]} {
    %get3A = arith.constant 0 : index
    %get3A_0 = arith.constant 0 : index
    %get3A_1 = arith.constant 0 : index
    %get3A_2 = arith.constant 0 : index
    %get3A_3 = vector.load %arg1[%get3A, %get3A_0, %get3A_1, %get3A_2] : memref<1x125x128x64xf32, #tpu.memory_space<vmem>>, vector<1x125x128x64xf32>
    %get3A_4 = arith.constant 0 : index
    %get3A_5 = arith.constant 0 : index
    %get3A_6 = vector.load %arg2[%get3A_4, %get3A_5] : memref<1x64xf32, #tpu.memory_space<vmem>>, vector<1x64xf32>
    %broadcast_in_dim3A = vector.shape_cast %get3A_6 : vector<1x64xf32> to vector<1x1x1x64xf32>
    %mul3A = vector.broadcast %broadcast_in_dim3A : vector<1x1x1x64xf32> to vector<1x125x128x64xf32>
    %mul3A_7 = arith.mulf %get3A_3, %mul3A : vector<1x125x128x64xf32>
    %reduce_sum3A = arith.constant dense<0.000000e+00> : vector<1x125x128xf32>
    %reduce_sum3A_8 = vector.multi_reduction <add>, %mul3A_7, %reduce_sum3A [3] : vector<1x125x128x64xf32> to vector<1x125x128xf32>
    %swap3A = arith.constant 0 : index
    %swap3A_9 = arith.constant 0 : index
    %swap3A_10 = arith.constant 0 : index
    %swap3A_11 = vector.load %arg3[%swap3A, %swap3A_9, %swap3A_10] : memref<1x125x128xf32, #tpu.memory_space<vmem>>, vector<1x125x128xf32>
    tpu.vector_store %arg3[%swap3A, %swap3A_9, %swap3A_10], %reduce_sum3A_8 {strides = array<i32>} : memref<1x125x128xf32, #tpu.memory_space<vmem>>, vector<1x125x128xf32>,
    return
  }
  func.func @transform_0(%arg0: i32) -> (i32, i32, i32, i32) {
    %add3A = arith.constant 30 : i32
    %add3A_0 = arith.addi %add3A, %arg0 : i32
    %c0_i32 = arith.constant 0 : i32
    %c0_i32_1 = arith.constant 0 : i32
    %c0_i32_2 = arith.constant 0 : i32
    %c0_i32_3 = arith.constant 0 : i32
    return %add3A_0, %c0_i32, %c0_i32_1, %c0_i32_2 : i32, i32, i32, i32
  }
  func.func @transform_1(%arg0: i32) -> (i32, i32) {
    %c0_i32 = arith.constant 0 : i32
    %c0_i32_0 = arith.constant 0 : i32
    %c0_i32_1 = arith.constant 0 : i32
    return %c0_i32, %c0_i32_0 : i32, i32
  }
  func.func @transform_2(%arg0: i32) -> (i32, i32, i32) {
    %c0_i32 = arith.constant 0 : i32
    %c0_i32_0 = arith.constant 0 : i32
    %c0_i32_1 = arith.constant 0 : i32
    return %arg0, %c0_i32, %c0_i32_0 : i32, i32, i32
  }
}

module attributes {stable_mosaic.version = 14 : i64} {
  func.func @_matvec_body(%arg0: i32, %arg1: memref<1x125x128x64xf32, #tpu.memory_space<vmem>>, %arg2: memref<1x64xf32, #tpu.memory_space<vmem>>, %arg3: memref<1x125x128xf32, #tpu.memory_space<vmem>>) attributes {dimension_semantics = [#tpu.dimension_semantics<arbitrary>], iteration_bounds = array<i64: 10>, scalar_prefetch = 0 : i64, scratch_operands = 0 : i64, tpu.core_type = #tpu.core_type<tc>, window_params = [{transform_indices = @transform_0, window_bounds = array<i64: 1, 125, 128, 64>}, {pipeline_mode = #tpu.pipeline_mode<synchronous>, transform_indices = @transform_1, window_bounds = array<i64: 1, 64>}, {transform_indices = @transform_2, window_bounds = array<i64: 1, 125, 128>}]} {
    %get3A = arith.constant 0 : index
    %get3A_0 = arith.constant 0 : index
    %get3A_1 = arith.constant 0 : index
    %get3A_2 = arith.constant 0 : index
    %get3A_3 = vector.load %arg1[%get3A, %get3A_0, %get3A_1, %get3A_2] : memref<1x125x128x64xf32, #tpu.memory_space<vmem>>, vector<1x125x128x64xf32>
    %get3A_4 = arith.constant 0 : index
    %get3A_5 = arith.constant 0 : index
    %get3A_6 = vector.load %arg2[%get3A_4, %get3A_5] : memref<1x64xf32, #tpu.memory_space<vmem>>, vector<1x64xf32>
    %broadcast_in_dim3A = vector.shape_cast %get3A_6 : vector<1x64xf32> to vector<1x1x1x64xf32>
    %mul3A = vector.broadcast %broadcast_in_dim3A : vector<1x1x1x64xf32> to vector<1x125x128x64xf32>
    %mul3A_7 = arith.mulf %get3A_3, %mul3A : vector<1x125x128x64xf32>
    %reduce_sum3A = arith.constant dense<0.000000e+00> : vector<1x125x128xf32>
    %reduce_sum3A_8 = vector.multi_reduction <add>, %mul3A_7, %reduce_sum3A [3] : vector<1x125x128x64xf32> to vector<1x125x128xf32>
    %swap3A = arith.constant 0 : index
    %swap3A_9 = arith.constant 0 : index
    %swap3A_10 = arith.constant 0 : index
    %swap3A_11 = vector.load %arg3[%swap3A, %swap3A_9, %swap3A_10] : memref<1x125x128xf32, #tpu.memory_space<vmem>>, vector<1x125x128xf32>
    tpu.vector_store %arg3[%swap3A, %swap3A_9, %swap3A_10], %reduce_sum3A_8 {strides = array<i32>} : memref<1x125x128xf32, #tpu.memory_space<vmem>>, vector<1x125x128xf32>,
    return
  }
  func.func @transform_0(%arg0: i32) -> (i32, i32, i32, i32) {
    %add3A = arith.constant 40 : i32
    %add3A_0 = arith.addi %add3A, %arg0 : i32
    %c0_i32 = arith.constant 0 : i32
    %c0_i32_1 = arith.constant 0 : i32
    %c0_i32_2 = arith.constant 0 : i32
    %c0_i32_3 = arith.constant 0 : i32
    return %add3A_0, %c0_i32, %c0_i32_1, %c0_i32_2 : i32, i32, i32, i32
  }
  func.func @transform_1(%arg0: i32) -> (i32, i32) {
    %c0_i32 = arith.constant 0 : i32
    %c0_i32_0 = arith.constant 0 : i32
    %c0_i32_1 = arith.constant 0 : i32
    return %c0_i32, %c0_i32_0 : i32, i32
  }
  func.func @transform_2(%arg0: i32) -> (i32, i32, i32) {
    %c0_i32 = arith.constant 0 : i32
    %c0_i32_0 = arith.constant 0 : i32
    %c0_i32_1 = arith.constant 0 : i32
    return %arg0, %c0_i32, %c0_i32_0 : i32, i32, i32
  }
}

module attributes {stable_mosaic.version = 14 : i64} {
  func.func @_combine_body(%arg0: memref<4x32x8x128xf32, #tpu.memory_space<vmem>>, %arg1: memref<4x32x8x128xf32, #tpu.memory_space<vmem>>, %arg2: memref<4x32x8x128xf32, #tpu.memory_space<vmem>>, %arg3: memref<4x32x8x128xf32, #tpu.memory_space<vmem>>, %arg4: memref<4x32x8x128xf32, #tpu.memory_space<vmem>>, %arg5: memref<1xf32, #tpu.memory_space<smem>>, %arg6: memref<32x128xf32, #tpu.memory_space<vmem>>) attributes {dimension_semantics = [], scalar_prefetch = 0 : i64, scratch_operands = 0 : i64, tpu.core_type = #tpu.core_type<tc>} {
    %get3A = arith.constant 0 : index
    %get3A_0 = arith.constant 0 : index
    %get3A_1 = arith.constant 0 : index
    %get3A_2 = arith.constant 0 : index
    %get3A_3 = vector.load %arg0[%get3A, %get3A_0, %get3A_1, %get3A_2] : memref<4x32x8x128xf32, #tpu.memory_space<vmem>>, vector<4x32x8x128xf32>
    %get3A_4 = arith.constant 0 : index
    %get3A_5 = arith.constant 0 : index
    %get3A_6 = arith.constant 0 : index
    %get3A_7 = arith.constant 0 : index
    %get3A_8 = vector.load %arg1[%get3A_4, %get3A_5, %get3A_6, %get3A_7] : memref<4x32x8x128xf32, #tpu.memory_space<vmem>>, vector<4x32x8x128xf32>
    %add3A = arith.addf %get3A_3, %get3A_8 : vector<4x32x8x128xf32>
    %get3A_9 = arith.constant 0 : index
    %get3A_10 = arith.constant 0 : index
    %get3A_11 = arith.constant 0 : index
    %get3A_12 = arith.constant 0 : index
    %get3A_13 = vector.load %arg2[%get3A_9, %get3A_10, %get3A_11, %get3A_12] : memref<4x32x8x128xf32, #tpu.memory_space<vmem>>, vector<4x32x8x128xf32>
    %add3A_14 = arith.addf %add3A, %get3A_13 : vector<4x32x8x128xf32>
    %get3A_15 = arith.constant 0 : index
    %get3A_16 = arith.constant 0 : index
    %get3A_17 = arith.constant 0 : index
    %get3A_18 = arith.constant 0 : index
    %get3A_19 = vector.load %arg3[%get3A_15, %get3A_16, %get3A_17, %get3A_18] : memref<4x32x8x128xf32, #tpu.memory_space<vmem>>, vector<4x32x8x128xf32>
    %add3A_20 = arith.addf %add3A_14, %get3A_19 : vector<4x32x8x128xf32>
    %get3A_21 = arith.constant 0 : index
    %get3A_22 = arith.constant 0 : index
    %get3A_23 = arith.constant 0 : index
    %get3A_24 = arith.constant 0 : index
    %get3A_25 = vector.load %arg4[%get3A_21, %get3A_22, %get3A_23, %get3A_24] : memref<4x32x8x128xf32, #tpu.memory_space<vmem>>, vector<4x32x8x128xf32>
    %add3A_26 = arith.addf %add3A_20, %get3A_25 : vector<4x32x8x128xf32>
    %reduce_sum3A = arith.constant dense<0.000000e+00> : vector<32x128xf32>
    %reduce_sum3A_27 = vector.multi_reduction <add>, %add3A_26, %reduce_sum3A [0, 2] : vector<4x32x8x128xf32> to vector<32x128xf32>
    %get3A_28 = arith.constant 0 : index
    %get3A_29 = memref.load %arg5[%get3A_28] : memref<1xf32, #tpu.memory_space<smem>>
    %add3A_30 = vector.broadcast %get3A_29 : f32 to vector<32x128xf32>
    %add3A_31 = arith.addf %reduce_sum3A_27, %add3A_30 : vector<32x128xf32>
    %swap3A = arith.constant 0 : index
    %swap3A_32 = arith.constant 0 : index
    %swap3A_33 = vector.load %arg6[%swap3A, %swap3A_32] : memref<32x128xf32, #tpu.memory_space<vmem>>, vector<32x128xf32>
    tpu.vector_store %arg6[%swap3A, %swap3A_32], %add3A_31 {strides = array<i32>} : memref<32x128xf32, #tpu.memory_space<vmem>>, vector<32x128xf32>,
    return
  }
}

</mosaic_0001>

<sc_bundles>
// kernel: kernel.13.cloned.1.call-start
scs
__scs_entry_jumppad:
0x0: {  	(pc) =	sbr.rel $0x88, $3  }
0x1: {  	(tag) =	ssettag $0x0;
	lr =	simm.s32 $0x1  }
0x2: {  	[smem:$0x3F9D] =	sst lr;
	_ =	strace $0xD0000000  }
0x3: {  	_ = 	snop  }
0x4: {  	_ = 	snop  }
0x5: {  	_ = 	snop  }
0x6: {  	_ = 	snop  }
0x7: {  	_ = 	snop  }
__scs_overlays_trampoline_lowered:
0x8: {  	[smem:$0x3FAC] =	sst s0  }
0x9: {  	[smem:$0x3FAD] =	sst s1  }
0xa: {  	[smem:$0x3FAE] =	sst s2  }
0xb: {  	[smem:$0x3FAF] =	sst s3  }
0xc: {  	[smem:$0x3FB0] =	sst s4  }
0xd: {  	[smem:$0x3FB1] =	sst s5  }
0xe: {  	[smem:$0x3FB2] =	sst s6  }
0xf: {  	[smem:$0x3FB3] =	sst s7  }
0x10: {  	[smem:$0x3FB4] =	sst s8  }
0x11: {  	[smem:$0x3FB5] =	sst s9;
	s0 =	simm.s32 @!p0 $0x0  }
0x12: {  	s1 =	sld [smem:$0x3F9B];
	s0 =	simm.s32 @p0 $0x1  }
0x13: {  	[smem:$0x3FB6] =	sst s0;
	s0 =	simm.s32 @!p1 $0x0  }
0x14: {  	s2 =	sld [smem:$0x3F9A];
	s0 =	simm.s32 @p1 $0x1  }
0x15: {  	[smem:$0x3FB7] =	sst s0;
	s0 =	simm.s32 @!p2 $0x0  }
0x16: {  	s3 =	sld [smem:$0x3FDB];
	s0 =	simm.s32 @p2 $0x1  }
0x17: {  	s4 =	simm.s32 $0x1BF5;
	[smem:$0x3FB9] =	sst s0  }
0x18: {  	s0 =	sld [smem:$0x3F9C];
	_ =	swait.ge [sflag:s4], $0x0  }
0x19: {  	s7 =	sld [smem:$0x3F9D]  }
0x1a: {  	s8 =	sadd.s32 $0xFFFFE003, lr  }
0x1b: {  	s9 =	sadd.s32 $0xFFFFFEF7, lr;
	s5 =	simm.s32 $0xFFFFFFFF;
	p2 =	slt.u32 s8, $0xFFFFF086  }
0x1c: {  	p1 =	slt.u32 s9, $0xF7A;
	s5 =	simm.s32 @!p2 $0x0  }
0x1d: {  	s5 =	simm.s32 @p1 $0x1;
	p0 =	seq.s32 s7, s2  }
0x1e: {  	s7 =	smul.u32 @!p0 $0xF7A, s2;
	p2 =	seq.s32 @!p0 s5, $0x0  }
0x1f: {  	s9 =	smul.u32 $0xF7A, s1;
	s8 =	simm.s32 @!p0 $0x1BF5;
	p2 =	por !p2, p0  }
0x20: {  	[sflag:s8] =	ssyncset.s32 @!p0 $0xFFFFF086;
	s6 =	sadd.s32 @!p0 s3, s7;
	s7 =	simm.s32 @!p0 $0x108  }
0x21: {  	s3 =	sadd.s32 s3, s9;
	s6 =	sadd.s32 @!p0 $0x88, s6;
	s7 =	simm.s32 @p2 $0x1082  }
0x22: {  	[simem:s7], [sflag:s8] =	dma.local @!p0 [hbm:s6], $0xF7A  }
0x23: {  	s9 =	sor.u32 $0xD0000000, s2;
	s6 =	simm.s32 $0x108;
	_ =	swait.ge @!p0 [sflag:s8], $0x0  }
0x24: {  	s3 =	sadd.s32 $0x88, s3;
	s6 =	simm.s32 @!p1 $0x1082;
	[sflag:s4] =	ssyncset.s32 $0xFFFFF086  }
0x25: {  	[simem:s6], [sflag:s4] =	dma.local [hbm:s3], $0xF7A  }
0x26: {  	[smem:$0x3F9D] =	sst s1;
	(tag) =	ssettag s2;
	_ =	strace s9  }
0x27: {  	s1 =	sld [smem:$0x3FAD]  }
0x28: {  	s2 =	sld [smem:$0x3FAE]  }
0x29: {  	s4 =	sld [smem:$0x3FB0]  }
0x2a: {  	p0 =	seq.s32 s5, $0x0;
	s5 =	sld [smem:$0x3FB1]  }
0x2b: {  	s6 =	sld [smem:$0x3FB2]  }
0x2c: {  	s7 =	sld [smem:$0x3FB3]  }
0x2d: {  	s3 =	simm.s32 $0x108;
	s8 =	sld [smem:$0x3FB4]  }
0x2e: {  	s3 =	simm.s32 @!p0 $0x1082;
	s9 =	sld [smem:$0x3FB5]  }
0x2f: {  	lr =	sadd.s32 s0, s3;
	s0 =	sld [smem:$0x3FAC]  }
0x30: {  	s3 =	sld [smem:$0x3FAF]  }
0x31: {  	[smem:$0x3FB8] =	sst s10  }
0x32: {  	s10 =	sld [smem:$0x3FB6];
	_ =	sdelay $0x3  }
0x33: {  	p0 =	seq.s32 s10, $0x1;
	s10 =	sld [smem:$0x3FB8];
	_ =	sdelay $0x3  }
0x34: {  	[smem:$0x3FB8] =	sst s10  }
0x35: {  	s10 =	sld [smem:$0x3FB7];
	_ =	sdelay $0x3  }
0x36: {  	p1 =	seq.s32 s10, $0x1;
	s10 =	sld [smem:$0x3FB8];
	_ =	sdelay $0x3  }
0x37: {  	[smem:$0x3FB8] =	sst s10  }
0x38: {  	s10 =	sld [smem:$0x3FB9]  }
0x39: {  	_ = 	snop;
	(pc) =	sbr.ind lr, $3  }
0x3a: {  	_ = 	snop  }
0x3b: {  	_ = 	snop  }
0x3c: {  	p2 =	seq.s32 s10, $0x1;
	s10 =	sld [smem:$0x3FB8]  }
0x3d: {  	_ =	shalt  }
0x3e: {  	_ =	shalt  }
0x3f: {  	_ =	shalt  }
0x40: {  	_ =	shalt  }
0x41: {  	_ =	shalt  }
0x42: {  	_ =	shalt  }
0x43: {  	_ =	shalt  }
0x44: {  	_ =	shalt  }
0x45: {  	_ =	shalt  }
0x46: {  	_ =	shalt  }
0x47: {  	_ =	shalt  }
0x48: {  	_ =	shalt  }
0x49: {  	_ =	shalt  }
0x4a: {  	_ =	shalt  }
0x4b: {  	_ =	shalt  }
0x4c: {  	_ =	shalt  }
0x4d: {  	_ =	shalt  }
0x4e: {  	_ =	shalt  }
0x4f: {  	_ =	shalt  }
0x50: {  	_ =	shalt  }
0x51: {  	_ =	shalt  }
0x52: {  	_ =	shalt  }
0x53: {  	_ =	shalt  }
0x54: {  	_ =	shalt  }
0x55: {  	_ =	shalt  }
0x56: {  	_ =	shalt  }
0x57: {  	_ =	shalt  }
0x58: {  	_ =	shalt  }
0x59: {  	_ =	shalt  }
0x5a: {  	_ =	shalt  }
0x5b: {  	_ =	shalt  }
0x5c: {  	_ =	shalt  }
0x5d: {  	_ =	shalt  }
0x5e: {  	_ =	shalt  }
0x5f: {  	_ =	shalt  }
0x60: {  	_ =	shalt  }
0x61: {  	_ =	shalt  }
0x62: {  	_ =	shalt  }
0x63: {  	_ =	shalt  }
0x64: {  	_ =	shalt  }
0x65: {  	_ =	shalt  }
0x66: {  	_ =	shalt  }
0x67: {  	_ =	shalt  }
0x68: {  	_ =	shalt  }
0x69: {  	_ =	shalt  }
0x6a: {  	_ =	shalt  }
0x6b: {  	_ =	shalt  }
0x6c: {  	_ =	shalt  }
0x6d: {  	_ =	shalt  }
0x6e: {  	_ =	shalt  }
0x6f: {  	_ =	shalt  }
0x70: {  	_ =	shalt  }
0x71: {  	_ =	shalt  }
0x72: {  	_ =	shalt  }
0x73: {  	_ =	shalt  }
0x74: {  	_ =	shalt  }
0x75: {  	_ =	shalt  }
0x76: {  	_ =	shalt  }
0x77: {  	_ =	shalt  }
0x78: {  	_ =	shalt  }
0x79: {  	_ =	shalt  }
0x7a: {  	_ =	shalt  }
0x7b: {  	_ =	shalt  }
0x7c: {  	_ =	shalt  }
0x7d: {  	_ =	shalt  }
0x7e: {  	_ =	shalt  }
0x7f: {  	_ =	shalt  }
0x80: {  	_ =	shalt  }
0x81: {  	_ =	shalt  }
0x82: {  	_ =	shalt  }
0x83: {  	_ =	shalt  }
0x84: {  	_ =	shalt  }
0x85: {  	_ =	shalt  }
0x86: {  	_ =	shalt  }
0x87: {  	_ =	shalt  }
.Lfunc_end0:
.L_simem_size_0:
called_computation_lowered:
.L_overlay_start_0:
0x88: {  	s2 =	sld [smem:$0x3FD9]  }
0x89: {  	s3 =	sld [smem:$0x3FFE];
	_ =	sdelay $0x1  }
0x8a: {  	s1 =	srdreg.scid  }
0x8b: {  	s0 =	sand.u32 $0x1, s1  }
0x8c: {  	s17 =	sshll.u32 s0, $0xA;
	s2 =	sadd.s32 s3, s2  }
0x8d: {  	s2 =	sadd.s32 s2, s17  }
0x8e: {  	[smem:$0x3FC4] =	sst s2  }
0x8f: {  	_ = 	snop  }
0x90: {  	s2 =	sld [smem:$0x3FC8];
	(tm) =	ssettm $0x1  }
0x91: {  	s18 =	sld [smem:$0x3FFB];
	_ =	sdelay $0x3  }
0x92: {  	_ =	strace s18  }
0x93: {  	s3 =	sld [smem:$0x3FFC];
	_ =	sdelay $0x3  }
0x94: {  	_ =	strace s3  }
0x95: {  	s3 =	sld [smem:$0x3FFD];
	_ =	sdelay $0x3  }
0x96: {  	_ =	strace s3  }
0x97: {  	_ =	strace $0x8FFFFFFF  }
0x98: {  	s19 =	sld [smem:$0x3FDB];
	_ =	sdelay $0x1  }
0x99: {  	s4 =	simm.s32 $_scs_section_size  }
0x9a: {  	s5 =	simm.s32 $_size__tile_overlayer_lowered;
	s6 =	simm.s32 $_tile_overlayer_lowered  }
0x9b: {  	s22 =	simm.s32 $0x1BFF;
	s21 =	sshll.u32 s6, $0x1;
	s3 =	sadd.s32 s4, s19  }
0x9c: {  	s7 =	simm.s32 $0x0;
	s20 =	sshll.u32 s5, $0x1;
	s5 =	sadd.s32 s21, s3  }
0x9d: {  	[timem:s7], [sflag:s22] =	dma.local [hbm:s5], s20  }
0x9e: {  	_ =	swait.ge [sflag:s22], s20  }
0x9f: {  	s4 =	ssub.s32 $0x0, s20;
	[sflag:s22] =	ssyncset.done $0x0  }
0xa0: {  	[sflag:s22] =	ssyncadd.s32 s4;
	_ =	sdelay $0x1  }
0xa1: {  	s23 =	simm.s32 $0x1B8B  }
0xa2: {  	_ =	swait.ge [sflag:s23], $0x1  }
0xa3: {  	[sflag:s23] =	ssyncset.done $0x0  }
0xa4: {  	s25 =	simm.s32 $0x1B8E;
	s24 =	sld [smem:$0x3FFE];
	[sflag:s23] =	ssyncadd.s32 $0xFFFFFFFF  }
0xa5: {  	s26 =	simm.s32 $execute0_lowered;
	[smem:$0x3FD2] =	sst s25  }
0xa6: {  	s5 =	sshll.u32 s26, $0x1;
	_ =	strace $0x80000046;
	[dreg:$0x1] =	wrdreg $0xFFFFFFFF  }
0xa7: {  	s28 =	simm.s32 $_size_execute0_lowered;
	s3 =	sadd.s32 s3, s5;
	[dreg:$0x0] =	wrdreg $0x0  }
0xa8: {  	s5 =	sshll.u32 s28, $0x1;
	[dreg:$0x2] =	wrdreg s3  }
0xa9: {  	[dreg:$0x3] =	wrdreg s5  }
0xaa: {  	[dreg:$0x4] =	wrdreg $0xC0  }
0xab: {  	_ =	task [dreg:s7], $0x5FFFF  }
0xac: {  	[dreg:$0x1] =	wrdreg $0xFFFFFFFF  }
0xad: {  	[dreg:$0x0] =	wrdreg $0x60  }
0xae: {  	[dreg:$0x2] =	wrdreg s24  }
0xaf: {  	[dreg:$0x3] =	wrdreg s2  }
0xb0: {  	[dreg:$0x4] =	wrdreg $0x9  }
0xb1: {  	_ =	task.clear_ibuf [dreg:s7], $0x5FFFF;
	_ =	strace $0x90000046  }
0xb2: {  	s29 =	simm.s32 $0x9;
	_ =	strace $0x80000048  }
0xb3: {  	_ =	swait.ge [sflag:s29], $0x1  }
0xb4: {  	[sflag:s29] =	ssyncadd.s32 $0xFFFFFFFF  }
0xb5: {  	_ =	strace $0x90000048  }
0xb6: {  	_ =	sfence  }
0xb7: {  	s30 =	sld [smem:$0x0];
	_ =	sdelay $0x2  }
0xb8: {  	s31 =	sshll.u32 s1, $0xD;
	s1 =	sshrl.u32 s1, $0x2  }
0xb9: {  	s3 =	sand.u32 $0x4000, s31;
	s1 =	sadd.s32 s1, s30  }
0xba: {  	s0 =	sor.u32 s3, s0;
	s1 =	sshll.u32 s1, $0x11  }
0xbb: {  	s0 =	sor.u32 s1, s0  }
0xbc: {  	s0 =	sadd.s32 $0x8F2B, s0  }
0xbd: {  	[sflag:s0] =	ssyncadd.remote.s32 $0x1  }
0xbe: {  	_ =	sfence.sel $0xFFFF  }
0xbf: {  	[dreg:$0x0] =	wrdreg $0xFFFFFFFF;
	(pc) =	sbr.abs _section_cstart, $3  }
0xc0: {  	[dreg:$0x1] =	wrdreg $0xFFFFFFFF  }
0xc1: {  	_ =	task.clear_ibuf [dreg:s7], $0x2FFFF;
	_ =	strace $0x9FFFFFFF  }
0xc2: {  	(tm) =	ssettm $0x7FFFFFFF  }
0xc3: {  	_ =	shalt  }
tec
execute0_lowered:
.L_overlay_start_1:
0x0: {  	(tag) =	ssettag $0x1  }
0x1: {  	s1 =	srdreg.scid;
	s3 =	rddreg [dreg:$0x0]  }
0x2: {  	s0 =	stileid.u32;
	s5 =	rddreg [dreg:$0x1];
	s2 =	simm.s32 $0x0  }
0x3: {  	s11 =	simm.s32 $0x400;
	s4 =	sand.u32 $0x1, s1;
	s1 =	rddreg [dreg:$0x2]  }
0x4: {  	s12 =	simm.s32 $0x0;
	s30 =	sshll.u32 s0, $0x1;
	[smem:$0x7FF] =	sst s2  }
0x5: {  	s9 =	sshll.u32 s0, $0xA;
	s6 =	sor.u32 s4, s30;
	_ =	strace $0x80000047  }
0x6: {  	s9 =	sand.u32 $0x3000, s9;
	s4 =	ssub.s32 $0x2, s4;
	s7 =	smul.u32 $0x271, s6  }
0x7: {  	s6 =	sshll.u32 s6, $0x4;
	s9 =	sadd.s32 s9, s3;
	s31 =	sshrl.u32 s4, $0x1  }
0x8: {  	s6 =	sand.u32 $0x70, s6;
	s10 =	ssub.s32 s4, s31;
	s8 =	sadd.s32 s7, s3  }
0x9: {  	s6 =	sadd.s32 s6, s9;
	s4 =	sadd.s32 s5, s7;
	s7 =	simm.s32 $0x1  }
0xa: {  	s9 =	simm.s32 $0x2800;
	s3 =	sadd.s32 $0xC37000, s8;
	s5 =	sadd.s32 $0xC3C000, s6  }
0xb: {  	v0 =	vimm.f32 $0.0e+00;
	s6 =	smax.u32 s10, $0x1;
	s8 =	simm.s32 $0x1400;
	s10 =	simm.s32 $0x80  }
.LBB2_1:
0xc: {  	[tilespmem:s2], [sflag:$0x1] =	stream.linear.gather [hbm4b:s3+s2], $0x1388, $0x38;
	[tilespmem:$0x3800] =	vst v63  }
0xd: {  	_ =	swait.ge [sflag:s7], $0x1388  }
0xe: {  	[sflag:s7] =	ssyncset.done $0x0  }
0xf: {  	[sflag:s7] =	ssyncadd.s32 $0xFFFFEC78  }
0x10: {  	[tilespmem:s8], [sflag:$0x1] =	stream.linear.gather [hbm4b:s4+s2], $0x1388, $0x38;
	[tilespmem:$0x3800] =	vst v63  }
0x11: {  	_ =	swait.ge [sflag:s7], $0x1388  }
0x12: {  	[sflag:s7] =	ssyncset.done $0x0  }
0x13: {  	s13 =	simm.s32 $0x0;
	s14 =	simm.s32 $0x200;
	[sflag:s7] =	ssyncadd.s32 $0xFFFFEC78  }
.LBB2_2:
0x14: {  	p0 =	sne.s32 s14, $0x3E00;
	[tilespmem:s13+$0x2870] =	vst v0  }
0x15: {  	[tilespmem:s13+$0x2800] =	vst v0  }
0x16: {  	[tilespmem:s13+$0x2810] =	vst v0  }
.Ltmp0:
0x17: {  	[tilespmem:s13+$0x2820] =	vst v0;
	(pc) =	sbr.rel @p0 .LBB2_2-.Ltmp0, $4  }
0x18: {  	[tilespmem:s13+$0x2830] =	vst v0  }
0x19: {  	[tilespmem:s13+$0x2840] =	vst v0  }
0x1a: {  	[tilespmem:s13+$0x2850] =	vst v0  }
0x1b: {  	[tilespmem:s13+$0x2860] =	vst v0;
	s13 =	sshra.s32 s14, $0x2;
	s14 =	sadd.s32 $0x200, s14  }
0x1c: {  	[tilespmem:s13+$0x2870] =	vst v0  }
0x1d: {  	[tilespmem:s13+$0x2800] =	vst v0  }
0x1e: {  	[tilespmem:s13+$0x2810] =	vst v0  }
0x1f: {  	[tilespmem:s13+$0x2820] =	vst v0  }
0x20: {  	[tilespmem:s13+$0x2830] =	vst v0  }
0x21: {  	[tilespmem:s13+$0x2840] =	vst v0  }
0x22: {  	[tilespmem:s13+$0x2850] =	vst v0  }
0x23: {  	[tilespmem:s13+$0x2860] =	vst v0;
	s14 =	simm.s32 $0x0;
	s13 =	simm.s32 $0x40  }
.LBB2_4:
0x24: {  	p0 =	sne.s32 s13, $0x4DC0;
	v1 =	vld [tilespmem:s14+$0x1400];
	_ =	sdelay $0x2  }
0x25: {  	v2 =	vld [tilespmem:s14+$0x0]  }
.Ltmp1:
0x26: {  	(pc) =	sbr.rel @p0 .LBB2_4-.Ltmp1, $2  }
0x27: {  	_ =	sdelay $0x2  }
0x28: {  	s14 =	sshra.s32 s13, $0x2;
	s13 =	sadd.s32 $0x40, s13;
	[tilespmem:v1+s9+$0x0] =	vst.idx.add.f32.msk $0xffff, v2  }
0x29: {  	v1 =	vld [tilespmem:s14+$0x1400];
	_ =	sdelay $0x2  }
0x2a: {  	v2 =	vld [tilespmem:s14+$0x0];
	_ =	sdelay $0x4  }
0x2b: {  	[tilespmem:v1+s9+$0x0] =	vst.idx.add.f32.msk $0xffff, v2  }
0x2c: {  	v1 =	vld [tilespmem:$0x2780];
	_ =	sdelay $0x2  }
0x2d: {  	v2 =	vld [tilespmem:$0x1380];
	_ =	sdelay $0x2  }
0x2e: {  	s12 =	sadd.s32 $0x1, s12  }
0x2f: {  	p0 =	sne.s32 s12, s6  }
.Ltmp2:
0x30: {  	[tilespmem:v1+s9+$0x0] =	vst.idx.add.f32.msk $0xff, v2;
	(pc) =	sbr.rel @p0 .LBB2_1-.Ltmp2, $4  }
0x31: {  	[hbm4b:s5+s10] =	stream.strided.scatter [tilespmem:s9], [sflag:$0x1], $0x1000, s11, s10, $0x38;
	[tilespmem:$0x3800] =	vst v63  }
0x32: {  	_ =	swait.ge [sflag:s7], $0x1000  }
0x33: {  	[sflag:s7] =	ssyncset.done $0x0  }
0x34: {  	[sflag:s7] =	ssyncadd.s32 $0xFFFFF000  }
0x35: {  	_ =	sfence.sel $0x180000  }
0x36: {  	[bflag:$0x0] =	sbarrier.arrive $0xFFFF  }
0x37: {  	p0 =	sne.s32 s0, $0x0;
	_ =	strace $0x90000047  }
0x38: {  	s0 =	sadd.s32 @!p0 $0x100000, s1;
	[bflag:$0x2] =	sbarrier.arrive $0xFFFF  }
0x39: {  	[sflag:s0] =	ssyncadd.tile.s32 @!p0 $0x1;
	_ =	shalt  }
.Lfunc_end2:
_tile_overlayer_lowered:
.L_overlay_start_2:
0x3a: {  	(tag) =	ssettag $0x2  }
0x3b: {  	s0 =	rddreg [dreg:$0x0];
	s2 =	stileid.u32  }
0x3c: {  	s1 =	rddreg [dreg:$0x1];
	p0 =	sne.s32 s2, $0x0  }
0x3d: {  	s3 =	rddreg [dreg:$0x2];
	[bflag:$0x3] =	sbarrier.arrive $0xFFFF;
	s2 =	simm.s32 @!p0 $0x1C01  }
0x3e: {  	[timem:s3], [sflag:s2] =	dma.local @!p0 [hbm:s0], s1  }
0x3f: {  	s0 =	simm.s32 @!p0 $0x1  }
0x40: {  	_ =	swait.ge @!p0 [sflag:s0], s1  }
0x41: {  	s1 =	ssub.s32 @!p0 $0x0, s1;
	[sflag:s0] =	ssyncset.done @!p0 $0x0  }
0x42: {  	[sflag:s0] =	ssyncadd.s32 @!p0 s1  }
0x43: {  	[bflag:$0x3] =	sbarrier.arrive $0xFFFF  }
0x44: {  	_ =	shalt  }

// kernel: kernel.16.cloned.1.call-start
scs
__scs_entry_jumppad:
0x0: {  	(pc) =	sbr.rel $0x88, $3  }
0x1: {  	(tag) =	ssettag $0x0;
	lr =	simm.s32 $0x1  }
0x2: {  	[smem:$0x3F9D] =	sst lr;
	_ =	strace $0xD0000000  }
0x3: {  	_ = 	snop  }
0x4: {  	_ = 	snop  }
0x5: {  	_ = 	snop  }
0x6: {  	_ = 	snop  }
0x7: {  	_ = 	snop  }
__scs_overlays_trampoline_lowered:
0x8: {  	[smem:$0x3FAC] =	sst s0  }
0x9: {  	[smem:$0x3FAD] =	sst s1  }
0xa: {  	[smem:$0x3FAE] =	sst s2  }
0xb: {  	[smem:$0x3FAF] =	sst s3  }
0xc: {  	[smem:$0x3FB0] =	sst s4  }
0xd: {  	[smem:$0x3FB1] =	sst s5  }
0xe: {  	[smem:$0x3FB2] =	sst s6  }
0xf: {  	[smem:$0x3FB3] =	sst s7  }
0x10: {  	[smem:$0x3FB4] =	sst s8  }
0x11: {  	[smem:$0x3FB5] =	sst s9;
	s0 =	simm.s32 @!p0 $0x0  }
0x12: {  	s1 =	sld [smem:$0x3F9B];
	s0 =	simm.s32 @p0 $0x1  }
0x13: {  	[smem:$0x3FB6] =	sst s0;
	s0 =	simm.s32 @!p1 $0x0  }
0x14: {  	s2 =	sld [smem:$0x3F9A];
	s0 =	simm.s32 @p1 $0x1  }
0x15: {  	[smem:$0x3FB7] =	sst s0;
	s0 =	simm.s32 @!p2 $0x0  }
0x16: {  	s3 =	sld [smem:$0x3FDB];
	s0 =	simm.s32 @p2 $0x1  }
0x17: {  	s4 =	simm.s32 $0x1BF5;
	[smem:$0x3FB9] =	sst s0  }
0x18: {  	s0 =	sld [smem:$0x3F9C];
	_ =	swait.ge [sflag:s4], $0x0  }
0x19: {  	s7 =	sld [smem:$0x3F9D]  }
0x1a: {  	s8 =	sadd.s32 $0xFFFFE003, lr  }
0x1b: {  	s9 =	sadd.s32 $0xFFFFFEF7, lr;
	s5 =	simm.s32 $0xFFFFFFFF;
	p2 =	slt.u32 s8, $0xFFFFF086  }
0x1c: {  	p1 =	slt.u32 s9, $0xF7A;
	s5 =	simm.s32 @!p2 $0x0  }
0x1d: {  	s5 =	simm.s32 @p1 $0x1;
	p0 =	seq.s32 s7, s2  }
0x1e: {  	s7 =	smul.u32 @!p0 $0xF7A, s2;
	p2 =	seq.s32 @!p0 s5, $0x0  }
0x1f: {  	s9 =	smul.u32 $0xF7A, s1;
	s8 =	simm.s32 @!p0 $0x1BF5;
	p2 =	por !p2, p0  }
0x20: {  	[sflag:s8] =	ssyncset.s32 @!p0 $0xFFFFF086;
	s6 =	sadd.s32 @!p0 s3, s7;
	s7 =	simm.s32 @!p0 $0x108  }
0x21: {  	s3 =	sadd.s32 s3, s9;
	s6 =	sadd.s32 @!p0 $0x88, s6;
	s7 =	simm.s32 @p2 $0x1082  }
0x22: {  	[simem:s7], [sflag:s8] =	dma.local @!p0 [hbm:s6], $0xF7A  }
0x23: {  	s9 =	sor.u32 $0xD0000000, s2;
	s6 =	simm.s32 $0x108;
	_ =	swait.ge @!p0 [sflag:s8], $0x0  }
0x24: {  	s3 =	sadd.s32 $0x88, s3;
	s6 =	simm.s32 @!p1 $0x1082;
	[sflag:s4] =	ssyncset.s32 $0xFFFFF086  }
0x25: {  	[simem:s6], [sflag:s4] =	dma.local [hbm:s3], $0xF7A  }
0x26: {  	[smem:$0x3F9D] =	sst s1;
	(tag) =	ssettag s2;
	_ =	strace s9  }
0x27: {  	s1 =	sld [smem:$0x3FAD]  }
0x28: {  	s2 =	sld [smem:$0x3FAE]  }
0x29: {  	s4 =	sld [smem:$0x3FB0]  }
0x2a: {  	p0 =	seq.s32 s5, $0x0;
	s5 =	sld [smem:$0x3FB1]  }
0x2b: {  	s6 =	sld [smem:$0x3FB2]  }
0x2c: {  	s7 =	sld [smem:$0x3FB3]  }
0x2d: {  	s3 =	simm.s32 $0x108;
	s8 =	sld [smem:$0x3FB4]  }
0x2e: {  	s3 =	simm.s32 @!p0 $0x1082;
	s9 =	sld [smem:$0x3FB5]  }
0x2f: {  	lr =	sadd.s32 s0, s3;
	s0 =	sld [smem:$0x3FAC]  }
0x30: {  	s3 =	sld [smem:$0x3FAF]  }
0x31: {  	[smem:$0x3FB8] =	sst s10  }
0x32: {  	s10 =	sld [smem:$0x3FB6];
	_ =	sdelay $0x3  }
0x33: {  	p0 =	seq.s32 s10, $0x1;
	s10 =	sld [smem:$0x3FB8];
	_ =	sdelay $0x3  }
0x34: {  	[smem:$0x3FB8] =	sst s10  }
0x35: {  	s10 =	sld [smem:$0x3FB7];
	_ =	sdelay $0x3  }
0x36: {  	p1 =	seq.s32 s10, $0x1;
	s10 =	sld [smem:$0x3FB8];
	_ =	sdelay $0x3  }
0x37: {  	[smem:$0x3FB8] =	sst s10  }
0x38: {  	s10 =	sld [smem:$0x3FB9]  }
0x39: {  	_ = 	snop;
	(pc) =	sbr.ind lr, $3  }
0x3a: {  	_ = 	snop  }
0x3b: {  	_ = 	snop  }
0x3c: {  	p2 =	seq.s32 s10, $0x1;
	s10 =	sld [smem:$0x3FB8]  }
0x3d: {  	_ =	shalt  }
0x3e: {  	_ =	shalt  }
0x3f: {  	_ =	shalt  }
0x40: {  	_ =	shalt  }
0x41: {  	_ =	shalt  }
0x42: {  	_ =	shalt  }
0x43: {  	_ =	shalt  }
0x44: {  	_ =	shalt  }
0x45: {  	_ =	shalt  }
0x46: {  	_ =	shalt  }
0x47: {  	_ =	shalt  }
0x48: {  	_ =	shalt  }
0x49: {  	_ =	shalt  }
0x4a: {  	_ =	shalt  }
0x4b: {  	_ =	shalt  }
0x4c: {  	_ =	shalt  }
0x4d: {  	_ =	shalt  }
0x4e: {  	_ =	shalt  }
0x4f: {  	_ =	shalt  }
0x50: {  	_ =	shalt  }
0x51: {  	_ =	shalt  }
0x52: {  	_ =	shalt  }
0x53: {  	_ =	shalt  }
0x54: {  	_ =	shalt  }
0x55: {  	_ =	shalt  }
0x56: {  	_ =	shalt  }
0x57: {  	_ =	shalt  }
0x58: {  	_ =	shalt  }
0x59: {  	_ =	shalt  }
0x5a: {  	_ =	shalt  }
0x5b: {  	_ =	shalt  }
0x5c: {  	_ =	shalt  }
0x5d: {  	_ =	shalt  }
0x5e: {  	_ =	shalt  }
0x5f: {  	_ =	shalt  }
0x60: {  	_ =	shalt  }
0x61: {  	_ =	shalt  }
0x62: {  	_ =	shalt  }
0x63: {  	_ =	shalt  }
0x64: {  	_ =	shalt  }
0x65: {  	_ =	shalt  }
0x66: {  	_ =	shalt  }
0x67: {  	_ =	shalt  }
0x68: {  	_ =	shalt  }
0x69: {  	_ =	shalt  }
0x6a: {  	_ =	shalt  }
0x6b: {  	_ =	shalt  }
0x6c: {  	_ =	shalt  }
0x6d: {  	_ =	shalt  }
0x6e: {  	_ =	shalt  }
0x6f: {  	_ =	shalt  }
0x70: {  	_ =	shalt  }
0x71: {  	_ =	shalt  }
0x72: {  	_ =	shalt  }
0x73: {  	_ =	shalt  }
0x74: {  	_ =	shalt  }
0x75: {  	_ =	shalt  }
0x76: {  	_ =	shalt  }
0x77: {  	_ =	shalt  }
0x78: {  	_ =	shalt  }
0x79: {  	_ =	shalt  }
0x7a: {  	_ =	shalt  }
0x7b: {  	_ =	shalt  }
0x7c: {  	_ =	shalt  }
0x7d: {  	_ =	shalt  }
0x7e: {  	_ =	shalt  }
0x7f: {  	_ =	shalt  }
0x80: {  	_ =	shalt  }
0x81: {  	_ =	shalt  }
0x82: {  	_ =	shalt  }
0x83: {  	_ =	shalt  }
0x84: {  	_ =	shalt  }
0x85: {  	_ =	shalt  }
0x86: {  	_ =	shalt  }
0x87: {  	_ =	shalt  }
.Lfunc_end0:
.L_simem_size_0:
called_computation.1_lowered:
.L_overlay_start_0:
0x88: {  	s2 =	sld [smem:$0x3FD9]  }
0x89: {  	s3 =	sld [smem:$0x3FFE];
	_ =	sdelay $0x1  }
0x8a: {  	s1 =	srdreg.scid  }
0x8b: {  	s0 =	sand.u32 $0x1, s1  }
0x8c: {  	s17 =	sshll.u32 s0, $0xA;
	s2 =	sadd.s32 s3, s2  }
0x8d: {  	s2 =	sadd.s32 s2, s17  }
0x8e: {  	[smem:$0x3FC4] =	sst s2  }
0x8f: {  	_ = 	snop  }
0x90: {  	s18 =	sld [smem:$0x3FC8];
	(tm) =	ssettm $0x1  }
0x91: {  	s19 =	sld [smem:$0x3FFB];
	_ =	sdelay $0x3  }
0x92: {  	_ =	strace s19  }
0x93: {  	s2 =	sld [smem:$0x3FFC];
	_ =	sdelay $0x3  }
0x94: {  	_ =	strace s2  }
0x95: {  	s2 =	sld [smem:$0x3FFD];
	_ =	sdelay $0x3  }
0x96: {  	_ =	strace s2  }
0x97: {  	_ =	strace $0x8FFFFFFF  }
0x98: {  	s20 =	sld [smem:$0x3FDB];
	_ =	sdelay $0x1  }
0x99: {  	s4 =	simm.s32 $_scs_section_size  }
0x9a: {  	s5 =	simm.s32 $_size__tile_overlayer_lowered;
	s6 =	simm.s32 $_tile_overlayer_lowered  }
0x9b: {  	s7 =	simm.s32 $0x1BFF;
	s21 =	sshll.u32 s6, $0x1;
	s4 =	sadd.s32 s4, s20  }
0x9c: {  	s22 =	simm.s32 $0x0;
	s5 =	sshll.u32 s5, $0x1;
	s6 =	sadd.s32 s21, s4  }
0x9d: {  	[timem:s22], [sflag:s7] =	dma.local [hbm:s6], s5  }
0x9e: {  	_ =	swait.ge [sflag:s7], s5  }
0x9f: {  	s5 =	ssub.s32 $0x0, s5;
	[sflag:s7] =	ssyncset.done $0x0  }
0xa0: {  	[sflag:s7] =	ssyncadd.s32 s5;
	_ =	sdelay $0x1  }
0xa1: {  	s23 =	simm.s32 $0x1B8B  }
0xa2: {  	_ =	swait.ge [sflag:s23], $0x1  }
0xa3: {  	[sflag:s23] =	ssyncset.done $0x0  }
0xa4: {  	[sflag:s23] =	ssyncadd.s32 $0xFFFFFFFF  }
0xa5: {  	s5 =	sld [smem:$0x0]  }
0xa6: {  	s6 =	sand.u32 $0xFFFFFFFE, s1  }
0xa7: {  	p0 =	sne.s32 s1, s6  }
0xa8: {  	s6 =	sshll.u32 @p0 s6, $0xE  }
0xa9: {  	s6 =	sadd.s32 @p0 $0x11B8D, s6;
	s7 =	sshll.u32 @p0 s5, $0x11  }
0xaa: {  	s6 =	sor.u32 @p0 s7, s6  }
0xab: {  	[sflag:s6] =	ssyncadd.remote.s32 @p0 $0x1;
	_ =	sdelay $0x1  }
0xac: {  	s6 =	simm.s32 @p0 $0x1B8D  }
0xad: {  	_ =	swait.eq @p0 [sflag:s6], $0x1  }
0xae: {  	[sflag:s6] =	ssyncadd.s32 @p0 $0xFFFFFFFF  }
0xaf: {  	s7 =	sshll.u32 @!p0 s1, $0xE  }
0xb0: {  	s7 =	sor.u32 @!p0 $0x4000, s7;
	s6 =	simm.s32 @!p0 $0x1B8D  }
0xb1: {  	s5 =	sshll.u32 @!p0 s5, $0x11;
	s7 =	sadd.s32 @!p0 $0x11B8D, s7;
	_ =	swait.eq @!p0 [sflag:s6], $0x1  }
0xb2: {  	s5 =	sor.u32 @!p0 s5, s7;
	[sflag:s6] =	ssyncadd.s32 @!p0 $0xFFFFFFFF  }
0xb3: {  	s25 =	simm.s32 $0x1B8E;
	s24 =	sld [smem:$0x3FFE];
	[sflag:s5] =	ssyncadd.remote.s32 @!p0 $0x1  }
0xb4: {  	s26 =	simm.s32 $execute0_lowered;
	[smem:$0x3FD2] =	sst s25  }
0xb5: {  	s6 =	sshll.u32 s26, $0x1;
	_ =	strace $0x80000049;
	[dreg:$0x1] =	wrdreg $0xFFFFFFFF  }
0xb6: {  	s28 =	simm.s32 $_size_execute0_lowered;
	s4 =	sadd.s32 s4, s6;
	[dreg:$0x0] =	wrdreg $0x0  }
0xb7: {  	s6 =	sshll.u32 s28, $0x1;
	[dreg:$0x2] =	wrdreg s4  }
0xb8: {  	[dreg:$0x3] =	wrdreg s6  }
0xb9: {  	[dreg:$0x4] =	wrdreg $0xC0  }
0xba: {  	_ =	task [dreg:s22], $0x5FFFF  }
0xbb: {  	[dreg:$0x1] =	wrdreg $0xFFFFFFFF  }
0xbc: {  	[dreg:$0x0] =	wrdreg $0x60  }
0xbd: {  	[dreg:$0x2] =	wrdreg s24  }
0xbe: {  	[dreg:$0x3] =	wrdreg s18  }
0xbf: {  	[dreg:$0x4] =	wrdreg $0xA  }
0xc0: {  	_ =	task.clear_ibuf [dreg:s22], $0x5FFFF;
	_ =	strace $0x90000049  }
0xc1: {  	s29 =	simm.s32 $0xA;
	_ =	strace $0x8000004B  }
0xc2: {  	_ =	swait.ge [sflag:s29], $0x1  }
0xc3: {  	[sflag:s29] =	ssyncadd.s32 $0xFFFFFFFF  }
0xc4: {  	_ =	strace $0x9000004B  }
0xc5: {  	_ =	sfence  }
0xc6: {  	s30 =	sld [smem:$0x0];
	_ =	sdelay $0x2  }
0xc7: {  	s31 =	sshll.u32 s1, $0xD;
	s1 =	sshrl.u32 s1, $0x2  }
0xc8: {  	s4 =	sand.u32 $0x4000, s31;
	s1 =	sadd.s32 s1, s30  }
0xc9: {  	s0 =	sor.u32 s4, s0;
	s1 =	sshll.u32 s1, $0x11  }
0xca: {  	s0 =	sor.u32 s1, s0  }
0xcb: {  	s0 =	sadd.s32 $0x8F2B, s0  }
0xcc: {  	[sflag:s0] =	ssyncadd.remote.s32 $0x1  }
0xcd: {  	_ =	sfence.sel $0xFFFF  }
0xce: {  	[dreg:$0x0] =	wrdreg $0xFFFFFFFF;
	(pc) =	sbr.abs _section_cstart, $3  }
0xcf: {  	[dreg:$0x1] =	wrdreg $0xFFFFFFFF  }
0xd0: {  	_ =	task.clear_ibuf [dreg:s22], $0x2FFFF;
	_ =	strace $0x9FFFFFFF  }
0xd1: {  	(tm) =	ssettm $0x7FFFFFFF  }
tec
execute0_lowered:
.L_overlay_start_1:
0x0: {  	(tag) =	ssettag $0x1  }
0x1: {  	s1 =	srdreg.scid;
	s3 =	rddreg [dreg:$0x0]  }
0x2: {  	s0 =	stileid.u32;
	s5 =	rddreg [dreg:$0x1]  }
0x3: {  	s2 =	simm.s32 $0x0;
	s11 =	simm.s32 $0x400;
	s12 =	simm.s32 $0x0  }
0x4: {  	s4 =	sand.u32 $0x1, s1;
	s30 =	sshll.u32 s0, $0x1;
	s1 =	rddreg [dreg:$0x2]  }
0x5: {  	[smem:$0x7FF] =	sst s2;
	s9 =	sshll.u32 s0, $0xA;
	s6 =	sor.u32 s4, s30  }
0x6: {  	_ =	strace $0x8000004A;
	s4 =	ssub.s32 $0x2, s4;
	s9 =	sand.u32 $0x3000, s9  }
0x7: {  	s7 =	smul.u32 $0x1388, s6;
	s10 =	sshrl.u32 s4, $0x1;
	s6 =	sshll.u32 s6, $0x4  }
0x8: {  	s9 =	sadd.s32 s9, s3;
	s10 =	ssub.s32 s4, s10;
	s31 =	sand.u32 $0x70, s6  }
0x9: {  	s7 =	sshrl.u32 s7, $0x3;
	s6 =	sadd.s32 s31, s9;
	s9 =	simm.s32 $0x2800  }
0xa: {  	s8 =	sadd.s32 s7, s3;
	s5 =	sadd.s32 s5, s7;
	s7 =	simm.s32 $0x1  }
0xb: {  	s3 =	sadd.s32 $0xC40000, s8;
	s4 =	sadd.s32 $0x4E20, s5;
	s5 =	sadd.s32 $0xC45000, s6  }
0xc: {  	v0 =	vimm.f32 $0.0e+00;
	s6 =	smax.u32 s10, $0x1;
	s8 =	simm.s32 $0x1400;
	s10 =	simm.s32 $0x80  }
.LBB2_1:
0xd: {  	[tilespmem:s2], [sflag:$0x1] =	stream.linear.gather [hbm4b:s3+s2], $0x1388, $0x38;
	[tilespmem:$0x3800] =	vst v63  }
0xe: {  	_ =	swait.ge [sflag:s7], $0x1388  }
0xf: {  	[sflag:s7] =	ssyncset.done $0x0  }
0x10: {  	[sflag:s7] =	ssyncadd.s32 $0xFFFFEC78  }
0x11: {  	[tilespmem:s8], [sflag:$0x1] =	stream.linear.gather [hbm4b:s4+s2], $0x1388, $0x38;
	[tilespmem:$0x3800] =	vst v63  }
0x12: {  	_ =	swait.ge [sflag:s7], $0x1388  }
0x13: {  	[sflag:s7] =	ssyncset.done $0x0  }
0x14: {  	s13 =	simm.s32 $0x0;
	s14 =	simm.s32 $0x200;
	[sflag:s7] =	ssyncadd.s32 $0xFFFFEC78  }
.LBB2_2:
0x15: {  	p0 =	sne.s32 s14, $0x3E00;
	[tilespmem:s13+$0x2870] =	vst v0  }
0x16: {  	[tilespmem:s13+$0x2800] =	vst v0  }
0x17: {  	[tilespmem:s13+$0x2810] =	vst v0  }
.Ltmp0:
0x18: {  	[tilespmem:s13+$0x2820] =	vst v0;
	(pc) =	sbr.rel @p0 .LBB2_2-.Ltmp0, $4  }
0x19: {  	[tilespmem:s13+$0x2830] =	vst v0  }
0x1a: {  	[tilespmem:s13+$0x2840] =	vst v0  }
0x1b: {  	[tilespmem:s13+$0x2850] =	vst v0  }
0x1c: {  	[tilespmem:s13+$0x2860] =	vst v0;
	s13 =	sshra.s32 s14, $0x2;
	s14 =	sadd.s32 $0x200, s14  }
0x1d: {  	[tilespmem:s13+$0x2870] =	vst v0  }
0x1e: {  	[tilespmem:s13+$0x2800] =	vst v0  }
0x1f: {  	[tilespmem:s13+$0x2810] =	vst v0  }
0x20: {  	[tilespmem:s13+$0x2820] =	vst v0  }
0x21: {  	[tilespmem:s13+$0x2830] =	vst v0  }
0x22: {  	[tilespmem:s13+$0x2840] =	vst v0  }
0x23: {  	[tilespmem:s13+$0x2850] =	vst v0  }
0x24: {  	[tilespmem:s13+$0x2860] =	vst v0;
	s14 =	simm.s32 $0x0;
	s13 =	simm.s32 $0x40  }
.LBB2_4:
0x25: {  	p0 =	sne.s32 s13, $0x4DC0;
	v1 =	vld [tilespmem:s14+$0x1400];
	_ =	sdelay $0x2  }
0x26: {  	v2 =	vld [tilespmem:s14+$0x0]  }
.Ltmp1:
0x27: {  	(pc) =	sbr.rel @p0 .LBB2_4-.Ltmp1, $2  }
0x28: {  	_ =	sdelay $0x2  }
0x29: {  	s14 =	sshra.s32 s13, $0x2;
	s13 =	sadd.s32 $0x40, s13;
	[tilespmem:v1+s9+$0x0] =	vst.idx.add.f32.msk $0xffff, v2  }
0x2a: {  	v1 =	vld [tilespmem:s14+$0x1400];
	_ =	sdelay $0x2  }
0x2b: {  	v2 =	vld [tilespmem:s14+$0x0];
	_ =	sdelay $0x4  }
0x2c: {  	[tilespmem:v1+s9+$0x0] =	vst.idx.add.f32.msk $0xffff, v2  }
0x2d: {  	v1 =	vld [tilespmem:$0x2780];
	_ =	sdelay $0x2  }
0x2e: {  	v2 =	vld [tilespmem:$0x1380];
	_ =	sdelay $0x2  }
0x2f: {  	s12 =	sadd.s32 $0x1, s12  }
0x30: {  	p0 =	sne.s32 s12, s6  }
.Ltmp2:
0x31: {  	[tilespmem:v1+s9+$0x0] =	vst.idx.add.f32.msk $0xff, v2;
	(pc) =	sbr.rel @p0 .LBB2_1-.Ltmp2, $4  }
0x32: {  	[hbm4b:s5+s10] =	stream.strided.scatter [tilespmem:s9], [sflag:$0x1], $0x1000, s11, s10, $0x38;
	[tilespmem:$0x3800] =	vst v63  }
0x33: {  	_ =	swait.ge [sflag:s7], $0x1000  }
0x34: {  	[sflag:s7] =	ssyncset.done $0x0  }
0x35: {  	[sflag:s7] =	ssyncadd.s32 $0xFFFFF000  }
0x36: {  	_ =	sfence.sel $0x180000  }
0x37: {  	[bflag:$0x0] =	sbarrier.arrive $0xFFFF  }
0x38: {  	p0 =	sne.s32 s0, $0x0;
	_ =	strace $0x9000004A  }
0x39: {  	s0 =	sadd.s32 @!p0 $0x100000, s1;
	[bflag:$0x2] =	sbarrier.arrive $0xFFFF  }
0x3a: {  	[sflag:s0] =	ssyncadd.tile.s32 @!p0 $0x1;
	_ =	shalt  }
.Lfunc_end2:
_tile_overlayer_lowered:
.L_overlay_start_2:
0x3b: {  	(tag) =	ssettag $0x2  }
0x3c: {  	s0 =	rddreg [dreg:$0x0];
	s2 =	stileid.u32  }
0x3d: {  	s1 =	rddreg [dreg:$0x1];
	p0 =	sne.s32 s2, $0x0  }
0x3e: {  	s3 =	rddreg [dreg:$0x2];
	[bflag:$0x3] =	sbarrier.arrive $0xFFFF;
	s2 =	simm.s32 @!p0 $0x1C01  }
0x3f: {  	[timem:s3], [sflag:s2] =	dma.local @!p0 [hbm:s0], s1  }
0x40: {  	s0 =	simm.s32 @!p0 $0x1  }
0x41: {  	_ =	swait.ge @!p0 [sflag:s0], s1  }
0x42: {  	s1 =	ssub.s32 @!p0 $0x0, s1;
	[sflag:s0] =	ssyncset.done @!p0 $0x0  }
0x43: {  	[sflag:s0] =	ssyncadd.s32 @!p0 s1  }
0x44: {  	[bflag:$0x3] =	sbarrier.arrive $0xFFFF  }
0x45: {  	_ =	shalt  }

// kernel: kernel.19.cloned.1.call-start
scs
__scs_entry_jumppad:
0x0: {  	(pc) =	sbr.rel $0x88, $3  }
0x1: {  	(tag) =	ssettag $0x0;
	lr =	simm.s32 $0x1  }
0x2: {  	[smem:$0x3F9D] =	sst lr;
	_ =	strace $0xD0000000  }
0x3: {  	_ = 	snop  }
0x4: {  	_ = 	snop  }
0x5: {  	_ = 	snop  }
0x6: {  	_ = 	snop  }
0x7: {  	_ = 	snop  }
__scs_overlays_trampoline_lowered:
0x8: {  	[smem:$0x3FAC] =	sst s0  }
0x9: {  	[smem:$0x3FAD] =	sst s1  }
0xa: {  	[smem:$0x3FAE] =	sst s2  }
0xb: {  	[smem:$0x3FAF] =	sst s3  }
0xc: {  	[smem:$0x3FB0] =	sst s4  }
0xd: {  	[smem:$0x3FB1] =	sst s5  }
0xe: {  	[smem:$0x3FB2] =	sst s6  }
0xf: {  	[smem:$0x3FB3] =	sst s7  }
0x10: {  	[smem:$0x3FB4] =	sst s8  }
0x11: {  	[smem:$0x3FB5] =	sst s9;
	s0 =	simm.s32 @!p0 $0x0  }
0x12: {  	s1 =	sld [smem:$0x3F9B];
	s0 =	simm.s32 @p0 $0x1  }
0x13: {  	[smem:$0x3FB6] =	sst s0;
	s0 =	simm.s32 @!p1 $0x0  }
0x14: {  	s2 =	sld [smem:$0x3F9A];
	s0 =	simm.s32 @p1 $0x1  }
0x15: {  	[smem:$0x3FB7] =	sst s0;
	s0 =	simm.s32 @!p2 $0x0  }
0x16: {  	s3 =	sld [smem:$0x3FDB];
	s0 =	simm.s32 @p2 $0x1  }
0x17: {  	s4 =	simm.s32 $0x1BF5;
	[smem:$0x3FB9] =	sst s0  }
0x18: {  	s0 =	sld [smem:$0x3F9C];
	_ =	swait.ge [sflag:s4], $0x0  }
0x19: {  	s7 =	sld [smem:$0x3F9D]  }
0x1a: {  	s8 =	sadd.s32 $0xFFFFE003, lr  }
0x1b: {  	s9 =	sadd.s32 $0xFFFFFEF7, lr;
	s5 =	simm.s32 $0xFFFFFFFF;
	p2 =	slt.u32 s8, $0xFFFFF086  }
0x1c: {  	p1 =	slt.u32 s9, $0xF7A;
	s5 =	simm.s32 @!p2 $0x0  }
0x1d: {  	s5 =	simm.s32 @p1 $0x1;
	p0 =	seq.s32 s7, s2  }
0x1e: {  	s7 =	smul.u32 @!p0 $0xF7A, s2;
	p2 =	seq.s32 @!p0 s5, $0x0  }
0x1f: {  	s9 =	smul.u32 $0xF7A, s1;
	s8 =	simm.s32 @!p0 $0x1BF5;
	p2 =	por !p2, p0  }
0x20: {  	[sflag:s8] =	ssyncset.s32 @!p0 $0xFFFFF086;
	s6 =	sadd.s32 @!p0 s3, s7;
	s7 =	simm.s32 @!p0 $0x108  }
0x21: {  	s3 =	sadd.s32 s3, s9;
	s6 =	sadd.s32 @!p0 $0x88, s6;
	s7 =	simm.s32 @p2 $0x1082  }
0x22: {  	[simem:s7], [sflag:s8] =	dma.local @!p0 [hbm:s6], $0xF7A  }
0x23: {  	s9 =	sor.u32 $0xD0000000, s2;
	s6 =	simm.s32 $0x108;
	_ =	swait.ge @!p0 [sflag:s8], $0x0  }
0x24: {  	s3 =	sadd.s32 $0x88, s3;
	s6 =	simm.s32 @!p1 $0x1082;
	[sflag:s4] =	ssyncset.s32 $0xFFFFF086  }
0x25: {  	[simem:s6], [sflag:s4] =	dma.local [hbm:s3], $0xF7A  }
0x26: {  	[smem:$0x3F9D] =	sst s1;
	(tag) =	ssettag s2;
	_ =	strace s9  }
0x27: {  	s1 =	sld [smem:$0x3FAD]  }
0x28: {  	s2 =	sld [smem:$0x3FAE]  }
0x29: {  	s4 =	sld [smem:$0x3FB0]  }
0x2a: {  	p0 =	seq.s32 s5, $0x0;
	s5 =	sld [smem:$0x3FB1]  }
0x2b: {  	s6 =	sld [smem:$0x3FB2]  }
0x2c: {  	s7 =	sld [smem:$0x3FB3]  }
0x2d: {  	s3 =	simm.s32 $0x108;
	s8 =	sld [smem:$0x3FB4]  }
0x2e: {  	s3 =	simm.s32 @!p0 $0x1082;
	s9 =	sld [smem:$0x3FB5]  }
0x2f: {  	lr =	sadd.s32 s0, s3;
	s0 =	sld [smem:$0x3FAC]  }
0x30: {  	s3 =	sld [smem:$0x3FAF]  }
0x31: {  	[smem:$0x3FB8] =	sst s10  }
0x32: {  	s10 =	sld [smem:$0x3FB6];
	_ =	sdelay $0x3  }
0x33: {  	p0 =	seq.s32 s10, $0x1;
	s10 =	sld [smem:$0x3FB8];
	_ =	sdelay $0x3  }
0x34: {  	[smem:$0x3FB8] =	sst s10  }
0x35: {  	s10 =	sld [smem:$0x3FB7];
	_ =	sdelay $0x3  }
0x36: {  	p1 =	seq.s32 s10, $0x1;
	s10 =	sld [smem:$0x3FB8];
	_ =	sdelay $0x3  }
0x37: {  	[smem:$0x3FB8] =	sst s10  }
0x38: {  	s10 =	sld [smem:$0x3FB9]  }
0x39: {  	_ = 	snop;
	(pc) =	sbr.ind lr, $3  }
0x3a: {  	_ = 	snop  }
0x3b: {  	_ = 	snop  }
0x3c: {  	p2 =	seq.s32 s10, $0x1;
	s10 =	sld [smem:$0x3FB8]  }
0x3d: {  	_ =	shalt  }
0x3e: {  	_ =	shalt  }
0x3f: {  	_ =	shalt  }
0x40: {  	_ =	shalt  }
0x41: {  	_ =	shalt  }
0x42: {  	_ =	shalt  }
0x43: {  	_ =	shalt  }
0x44: {  	_ =	shalt  }
0x45: {  	_ =	shalt  }
0x46: {  	_ =	shalt  }
0x47: {  	_ =	shalt  }
0x48: {  	_ =	shalt  }
0x49: {  	_ =	shalt  }
0x4a: {  	_ =	shalt  }
0x4b: {  	_ =	shalt  }
0x4c: {  	_ =	shalt  }
0x4d: {  	_ =	shalt  }
0x4e: {  	_ =	shalt  }
0x4f: {  	_ =	shalt  }
0x50: {  	_ =	shalt  }
0x51: {  	_ =	shalt  }
0x52: {  	_ =	shalt  }
0x53: {  	_ =	shalt  }
0x54: {  	_ =	shalt  }
0x55: {  	_ =	shalt  }
0x56: {  	_ =	shalt  }
0x57: {  	_ =	shalt  }
0x58: {  	_ =	shalt  }
0x59: {  	_ =	shalt  }
0x5a: {  	_ =	shalt  }
0x5b: {  	_ =	shalt  }
0x5c: {  	_ =	shalt  }
0x5d: {  	_ =	shalt  }
0x5e: {  	_ =	shalt  }
0x5f: {  	_ =	shalt  }
0x60: {  	_ =	shalt  }
0x61: {  	_ =	shalt  }
0x62: {  	_ =	shalt  }
0x63: {  	_ =	shalt  }
0x64: {  	_ =	shalt  }
0x65: {  	_ =	shalt  }
0x66: {  	_ =	shalt  }
0x67: {  	_ =	shalt  }
0x68: {  	_ =	shalt  }
0x69: {  	_ =	shalt  }
0x6a: {  	_ =	shalt  }
0x6b: {  	_ =	shalt  }
0x6c: {  	_ =	shalt  }
0x6d: {  	_ =	shalt  }
0x6e: {  	_ =	shalt  }
0x6f: {  	_ =	shalt  }
0x70: {  	_ =	shalt  }
0x71: {  	_ =	shalt  }
0x72: {  	_ =	shalt  }
0x73: {  	_ =	shalt  }
0x74: {  	_ =	shalt  }
0x75: {  	_ =	shalt  }
0x76: {  	_ =	shalt  }
0x77: {  	_ =	shalt  }
0x78: {  	_ =	shalt  }
0x79: {  	_ =	shalt  }
0x7a: {  	_ =	shalt  }
0x7b: {  	_ =	shalt  }
0x7c: {  	_ =	shalt  }
0x7d: {  	_ =	shalt  }
0x7e: {  	_ =	shalt  }
0x7f: {  	_ =	shalt  }
0x80: {  	_ =	shalt  }
0x81: {  	_ =	shalt  }
0x82: {  	_ =	shalt  }
0x83: {  	_ =	shalt  }
0x84: {  	_ =	shalt  }
0x85: {  	_ =	shalt  }
0x86: {  	_ =	shalt  }
0x87: {  	_ =	shalt  }
.Lfunc_end0:
.L_simem_size_0:
called_computation.2_lowered:
.L_overlay_start_0:
0x88: {  	s2 =	sld [smem:$0x3FD9]  }
0x89: {  	s3 =	sld [smem:$0x3FFE];
	_ =	sdelay $0x1  }
0x8a: {  	s1 =	srdreg.scid  }
0x8b: {  	s0 =	sand.u32 $0x1, s1  }
0x8c: {  	s17 =	sshll.u32 s0, $0xA;
	s2 =	sadd.s32 s3, s2  }
0x8d: {  	s2 =	sadd.s32 s2, s17  }
0x8e: {  	[smem:$0x3FC4] =	sst s2  }
0x8f: {  	_ = 	snop  }
0x90: {  	s18 =	sld [smem:$0x3FC8];
	(tm) =	ssettm $0x1  }
0x91: {  	s19 =	sld [smem:$0x3FFB];
	_ =	sdelay $0x3  }
0x92: {  	_ =	strace s19  }
0x93: {  	s2 =	sld [smem:$0x3FFC];
	_ =	sdelay $0x3  }
0x94: {  	_ =	strace s2  }
0x95: {  	s2 =	sld [smem:$0x3FFD];
	_ =	sdelay $0x3  }
0x96: {  	_ =	strace s2  }
0x97: {  	_ =	strace $0x8FFFFFFF  }
0x98: {  	s20 =	sld [smem:$0x3FDB];
	_ =	sdelay $0x1  }
0x99: {  	s4 =	simm.s32 $_scs_section_size  }
0x9a: {  	s5 =	simm.s32 $_size__tile_overlayer_lowered;
	s6 =	simm.s32 $_tile_overlayer_lowered  }
0x9b: {  	s7 =	simm.s32 $0x1BFF;
	s21 =	sshll.u32 s6, $0x1;
	s4 =	sadd.s32 s4, s20  }
0x9c: {  	s22 =	simm.s32 $0x0;
	s5 =	sshll.u32 s5, $0x1;
	s6 =	sadd.s32 s21, s4  }
0x9d: {  	[timem:s22], [sflag:s7] =	dma.local [hbm:s6], s5  }
0x9e: {  	_ =	swait.ge [sflag:s7], s5  }
0x9f: {  	s5 =	ssub.s32 $0x0, s5;
	[sflag:s7] =	ssyncset.done $0x0  }
0xa0: {  	[sflag:s7] =	ssyncadd.s32 s5;
	_ =	sdelay $0x1  }
0xa1: {  	s23 =	simm.s32 $0x1B8B  }
0xa2: {  	_ =	swait.ge [sflag:s23], $0x1  }
0xa3: {  	[sflag:s23] =	ssyncset.done $0x0  }
0xa4: {  	[sflag:s23] =	ssyncadd.s32 $0xFFFFFFFF  }
0xa5: {  	s5 =	sld [smem:$0x0]  }
0xa6: {  	s6 =	sand.u32 $0xFFFFFFFE, s1  }
0xa7: {  	p0 =	sne.s32 s1, s6  }
0xa8: {  	s6 =	sshll.u32 @p0 s6, $0xE  }
0xa9: {  	s6 =	sadd.s32 @p0 $0x11B8D, s6;
	s7 =	sshll.u32 @p0 s5, $0x11  }
0xaa: {  	s6 =	sor.u32 @p0 s7, s6  }
0xab: {  	[sflag:s6] =	ssyncadd.remote.s32 @p0 $0x1;
	_ =	sdelay $0x1  }
0xac: {  	s6 =	simm.s32 @p0 $0x1B8D  }
0xad: {  	_ =	swait.eq @p0 [sflag:s6], $0x1  }
0xae: {  	[sflag:s6] =	ssyncadd.s32 @p0 $0xFFFFFFFF  }
0xaf: {  	s7 =	sshll.u32 @!p0 s1, $0xE  }
0xb0: {  	s7 =	sor.u32 @!p0 $0x4000, s7;
	s6 =	simm.s32 @!p0 $0x1B8D  }
0xb1: {  	s5 =	sshll.u32 @!p0 s5, $0x11;
	s7 =	sadd.s32 @!p0 $0x11B8D, s7;
	_ =	swait.eq @!p0 [sflag:s6], $0x1  }
0xb2: {  	s5 =	sor.u32 @!p0 s5, s7;
	[sflag:s6] =	ssyncadd.s32 @!p0 $0xFFFFFFFF  }
0xb3: {  	s25 =	simm.s32 $0x1B8E;
	s24 =	sld [smem:$0x3FFE];
	[sflag:s5] =	ssyncadd.remote.s32 @!p0 $0x1  }
0xb4: {  	s26 =	simm.s32 $execute0_lowered;
	[smem:$0x3FD2] =	sst s25  }
0xb5: {  	s6 =	sshll.u32 s26, $0x1;
	_ =	strace $0x8000004C;
	[dreg:$0x1] =	wrdreg $0xFFFFFFFF  }
0xb6: {  	s28 =	simm.s32 $_size_execute0_lowered;
	s4 =	sadd.s32 s4, s6;
	[dreg:$0x0] =	wrdreg $0x0  }
0xb7: {  	s6 =	sshll.u32 s28, $0x1;
	[dreg:$0x2] =	wrdreg s4  }
0xb8: {  	[dreg:$0x3] =	wrdreg s6  }
0xb9: {  	[dreg:$0x4] =	wrdreg $0xC0  }
0xba: {  	_ =	task [dreg:s22], $0x5FFFF  }
0xbb: {  	[dreg:$0x1] =	wrdreg $0xFFFFFFFF  }
0xbc: {  	[dreg:$0x0] =	wrdreg $0x60  }
0xbd: {  	[dreg:$0x2] =	wrdreg s24  }
0xbe: {  	[dreg:$0x3] =	wrdreg s18  }
0xbf: {  	[dreg:$0x4] =	wrdreg $0xB  }
0xc0: {  	_ =	task.clear_ibuf [dreg:s22], $0x5FFFF;
	_ =	strace $0x9000004C  }
0xc1: {  	s29 =	simm.s32 $0xB;
	_ =	strace $0x8000004E  }
0xc2: {  	_ =	swait.ge [sflag:s29], $0x1  }
0xc3: {  	[sflag:s29] =	ssyncadd.s32 $0xFFFFFFFF  }
0xc4: {  	_ =	strace $0x9000004E  }
0xc5: {  	_ =	sfence  }
0xc6: {  	s30 =	sld [smem:$0x0];
	_ =	sdelay $0x2  }
0xc7: {  	s31 =	sshll.u32 s1, $0xD;
	s1 =	sshrl.u32 s1, $0x2  }
0xc8: {  	s4 =	sand.u32 $0x4000, s31;
	s1 =	sadd.s32 s1, s30  }
0xc9: {  	s0 =	sor.u32 s4, s0;
	s1 =	sshll.u32 s1, $0x11  }
0xca: {  	s0 =	sor.u32 s1, s0  }
0xcb: {  	s0 =	sadd.s32 $0x8F2B, s0  }
0xcc: {  	[sflag:s0] =	ssyncadd.remote.s32 $0x1  }
0xcd: {  	_ =	sfence.sel $0xFFFF  }
0xce: {  	[dreg:$0x0] =	wrdreg $0xFFFFFFFF;
	(pc) =	sbr.abs _section_cstart, $3  }
0xcf: {  	[dreg:$0x1] =	wrdreg $0xFFFFFFFF  }
0xd0: {  	_ =	task.clear_ibuf [dreg:s22], $0x2FFFF;
	_ =	strace $0x9FFFFFFF  }
0xd1: {  	(tm) =	ssettm $0x7FFFFFFF  }
tec
execute0_lowered:
.L_overlay_start_1:
0x0: {  	(tag) =	ssettag $0x1  }
0x1: {  	s1 =	srdreg.scid;
	s3 =	rddreg [dreg:$0x0]  }
0x2: {  	s0 =	stileid.u32;
	s5 =	rddreg [dreg:$0x1]  }
0x3: {  	s2 =	simm.s32 $0x0;
	s11 =	simm.s32 $0x400;
	s12 =	simm.s32 $0x0  }
0x4: {  	s4 =	sand.u32 $0x1, s1;
	s30 =	sshll.u32 s0, $0x1;
	s1 =	rddreg [dreg:$0x2]  }
0x5: {  	[smem:$0x7FF] =	sst s2;
	s9 =	sshll.u32 s0, $0xA;
	s6 =	sor.u32 s4, s30  }
0x6: {  	_ =	strace $0x8000004D;
	s4 =	ssub.s32 $0x2, s4;
	s9 =	sand.u32 $0x3000, s9  }
0x7: {  	s7 =	smul.u32 $0x1388, s6;
	s10 =	sshrl.u32 s4, $0x1;
	s6 =	sshll.u32 s6, $0x4  }
0x8: {  	s9 =	sadd.s32 s9, s3;
	s10 =	ssub.s32 s4, s10;
	s31 =	sand.u32 $0x70, s6  }
0x9: {  	s7 =	sshrl.u32 s7, $0x3;
	s6 =	sadd.s32 s31, s9;
	s9 =	simm.s32 $0x2800  }
0xa: {  	s8 =	sadd.s32 s7, s3;
	s5 =	sadd.s32 s5, s7;
	s7 =	simm.s32 $0x1  }
0xb: {  	s3 =	sadd.s32 $0xC49000, s8;
	s4 =	sadd.s32 $0x9C40, s5;
	s5 =	sadd.s32 $0xC4E000, s6  }
0xc: {  	v0 =	vimm.f32 $0.0e+00;
	s6 =	smax.u32 s10, $0x1;
	s8 =	simm.s32 $0x1400;
	s10 =	simm.s32 $0x80  }
.LBB2_1:
0xd: {  	[tilespmem:s2], [sflag:$0x1] =	stream.linear.gather [hbm4b:s3+s2], $0x1388, $0x38;
	[tilespmem:$0x3800] =	vst v63  }
0xe: {  	_ =	swait.ge [sflag:s7], $0x1388  }
0xf: {  	[sflag:s7] =	ssyncset.done $0x0  }
0x10: {  	[sflag:s7] =	ssyncadd.s32 $0xFFFFEC78  }
0x11: {  	[tilespmem:s8], [sflag:$0x1] =	stream.linear.gather [hbm4b:s4+s2], $0x1388, $0x38;
	[tilespmem:$0x3800] =	vst v63  }
0x12: {  	_ =	swait.ge [sflag:s7], $0x1388  }
0x13: {  	[sflag:s7] =	ssyncset.done $0x0  }
0x14: {  	s13 =	simm.s32 $0x0;
	s14 =	simm.s32 $0x200;
	[sflag:s7] =	ssyncadd.s32 $0xFFFFEC78  }
.LBB2_2:
0x15: {  	p0 =	sne.s32 s14, $0x3E00;
	[tilespmem:s13+$0x2870] =	vst v0  }
0x16: {  	[tilespmem:s13+$0x2800] =	vst v0  }
0x17: {  	[tilespmem:s13+$0x2810] =	vst v0  }
.Ltmp0:
0x18: {  	[tilespmem:s13+$0x2820] =	vst v0;
	(pc) =	sbr.rel @p0 .LBB2_2-.Ltmp0, $4  }
0x19: {  	[tilespmem:s13+$0x2830] =	vst v0  }
0x1a: {  	[tilespmem:s13+$0x2840] =	vst v0  }
0x1b: {  	[tilespmem:s13+$0x2850] =	vst v0  }
0x1c: {  	[tilespmem:s13+$0x2860] =	vst v0;
	s13 =	sshra.s32 s14, $0x2;
	s14 =	sadd.s32 $0x200, s14  }
0x1d: {  	[tilespmem:s13+$0x2870] =	vst v0  }
0x1e: {  	[tilespmem:s13+$0x2800] =	vst v0  }
0x1f: {  	[tilespmem:s13+$0x2810] =	vst v0  }
0x20: {  	[tilespmem:s13+$0x2820] =	vst v0  }
0x21: {  	[tilespmem:s13+$0x2830] =	vst v0  }
0x22: {  	[tilespmem:s13+$0x2840] =	vst v0  }
0x23: {  	[tilespmem:s13+$0x2850] =	vst v0  }
0x24: {  	[tilespmem:s13+$0x2860] =	vst v0;
	s14 =	simm.s32 $0x0;
	s13 =	simm.s32 $0x40  }
.LBB2_4:
0x25: {  	p0 =	sne.s32 s13, $0x4DC0;
	v1 =	vld [tilespmem:s14+$0x1400];
	_ =	sdelay $0x2  }
0x26: {  	v2 =	vld [tilespmem:s14+$0x0]  }
.Ltmp1:
0x27: {  	(pc) =	sbr.rel @p0 .LBB2_4-.Ltmp1, $2  }
0x28: {  	_ =	sdelay $0x2  }
0x29: {  	s14 =	sshra.s32 s13, $0x2;
	s13 =	sadd.s32 $0x40, s13;
	[tilespmem:v1+s9+$0x0] =	vst.idx.add.f32.msk $0xffff, v2  }
0x2a: {  	v1 =	vld [tilespmem:s14+$0x1400];
	_ =	sdelay $0x2  }
0x2b: {  	v2 =	vld [tilespmem:s14+$0x0];
	_ =	sdelay $0x4  }
0x2c: {  	[tilespmem:v1+s9+$0x0] =	vst.idx.add.f32.msk $0xffff, v2  }
0x2d: {  	v1 =	vld [tilespmem:$0x2780];
	_ =	sdelay $0x2  }
0x2e: {  	v2 =	vld [tilespmem:$0x1380];
	_ =	sdelay $0x2  }
0x2f: {  	s12 =	sadd.s32 $0x1, s12  }
0x30: {  	p0 =	sne.s32 s12, s6  }
.Ltmp2:
0x31: {  	[tilespmem:v1+s9+$0x0] =	vst.idx.add.f32.msk $0xff, v2;
	(pc) =	sbr.rel @p0 .LBB2_1-.Ltmp2, $4  }
0x32: {  	[hbm4b:s5+s10] =	stream.strided.scatter [tilespmem:s9], [sflag:$0x1], $0x1000, s11, s10, $0x38;
	[tilespmem:$0x3800] =	vst v63  }
0x33: {  	_ =	swait.ge [sflag:s7], $0x1000  }
0x34: {  	[sflag:s7] =	ssyncset.done $0x0  }
0x35: {  	[sflag:s7] =	ssyncadd.s32 $0xFFFFF000  }
0x36: {  	_ =	sfence.sel $0x180000  }
0x37: {  	[bflag:$0x0] =	sbarrier.arrive $0xFFFF  }
0x38: {  	p0 =	sne.s32 s0, $0x0;
	_ =	strace $0x9000004D  }
0x39: {  	s0 =	sadd.s32 @!p0 $0x100000, s1;
	[bflag:$0x2] =	sbarrier.arrive $0xFFFF  }
0x3a: {  	[sflag:s0] =	ssyncadd.tile.s32 @!p0 $0x1;
	_ =	shalt  }
.Lfunc_end2:
_tile_overlayer_lowered:
.L_overlay_start_2:
0x3b: {  	(tag) =	ssettag $0x2  }
0x3c: {  	s0 =	rddreg [dreg:$0x0];
	s2 =	stileid.u32  }
0x3d: {  	s1 =	rddreg [dreg:$0x1];
	p0 =	sne.s32 s2, $0x0  }
0x3e: {  	s3 =	rddreg [dreg:$0x2];
	[bflag:$0x3] =	sbarrier.arrive $0xFFFF;
	s2 =	simm.s32 @!p0 $0x1C01  }
0x3f: {  	[timem:s3], [sflag:s2] =	dma.local @!p0 [hbm:s0], s1  }
0x40: {  	s0 =	simm.s32 @!p0 $0x1  }
0x41: {  	_ =	swait.ge @!p0 [sflag:s0], s1  }
0x42: {  	s1 =	ssub.s32 @!p0 $0x0, s1;
	[sflag:s0] =	ssyncset.done @!p0 $0x0  }
0x43: {  	[sflag:s0] =	ssyncadd.s32 @!p0 s1  }
0x44: {  	[bflag:$0x3] =	sbarrier.arrive $0xFFFF  }
0x45: {  	_ =	shalt  }

// kernel: kernel.22.cloned.1.call-start
scs
__scs_entry_jumppad:
0x0: {  	(pc) =	sbr.rel $0x88, $3  }
0x1: {  	(tag) =	ssettag $0x0;
	lr =	simm.s32 $0x1  }
0x2: {  	[smem:$0x3F9D] =	sst lr;
	_ =	strace $0xD0000000  }
0x3: {  	_ = 	snop  }
0x4: {  	_ = 	snop  }
0x5: {  	_ = 	snop  }
0x6: {  	_ = 	snop  }
0x7: {  	_ = 	snop  }
__scs_overlays_trampoline_lowered:
0x8: {  	[smem:$0x3FAC] =	sst s0  }
0x9: {  	[smem:$0x3FAD] =	sst s1  }
0xa: {  	[smem:$0x3FAE] =	sst s2  }
0xb: {  	[smem:$0x3FAF] =	sst s3  }
0xc: {  	[smem:$0x3FB0] =	sst s4  }
0xd: {  	[smem:$0x3FB1] =	sst s5  }
0xe: {  	[smem:$0x3FB2] =	sst s6  }
0xf: {  	[smem:$0x3FB3] =	sst s7  }
0x10: {  	[smem:$0x3FB4] =	sst s8  }
0x11: {  	[smem:$0x3FB5] =	sst s9;
	s0 =	simm.s32 @!p0 $0x0  }
0x12: {  	s1 =	sld [smem:$0x3F9B];
	s0 =	simm.s32 @p0 $0x1  }
0x13: {  	[smem:$0x3FB6] =	sst s0;
	s0 =	simm.s32 @!p1 $0x0  }
0x14: {  	s2 =	sld [smem:$0x3F9A];
	s0 =	simm.s32 @p1 $0x1  }
0x15: {  	[smem:$0x3FB7] =	sst s0;
	s0 =	simm.s32 @!p2 $0x0  }
0x16: {  	s3 =	sld [smem:$0x3FDB];
	s0 =	simm.s32 @p2 $0x1  }
0x17: {  	s4 =	simm.s32 $0x1BF5;
	[smem:$0x3FB9] =	sst s0  }
0x18: {  	s0 =	sld [smem:$0x3F9C];
	_ =	swait.ge [sflag:s4], $0x0  }
0x19: {  	s7 =	sld [smem:$0x3F9D]  }
0x1a: {  	s8 =	sadd.s32 $0xFFFFE003, lr  }
0x1b: {  	s9 =	sadd.s32 $0xFFFFFEF7, lr;
	s5 =	simm.s32 $0xFFFFFFFF;
	p2 =	slt.u32 s8, $0xFFFFF086  }
0x1c: {  	p1 =	slt.u32 s9, $0xF7A;
	s5 =	simm.s32 @!p2 $0x0  }
0x1d: {  	s5 =	simm.s32 @p1 $0x1;
	p0 =	seq.s32 s7, s2  }
0x1e: {  	s7 =	smul.u32 @!p0 $0xF7A, s2;
	p2 =	seq.s32 @!p0 s5, $0x0  }
0x1f: {  	s9 =	smul.u32 $0xF7A, s1;
	s8 =	simm.s32 @!p0 $0x1BF5;
	p2 =	por !p2, p0  }
0x20: {  	[sflag:s8] =	ssyncset.s32 @!p0 $0xFFFFF086;
	s6 =	sadd.s32 @!p0 s3, s7;
	s7 =	simm.s32 @!p0 $0x108  }
0x21: {  	s3 =	sadd.s32 s3, s9;
	s6 =	sadd.s32 @!p0 $0x88, s6;
	s7 =	simm.s32 @p2 $0x1082  }
0x22: {  	[simem:s7], [sflag:s8] =	dma.local @!p0 [hbm:s6], $0xF7A  }
0x23: {  	s9 =	sor.u32 $0xD0000000, s2;
	s6 =	simm.s32 $0x108;
	_ =	swait.ge @!p0 [sflag:s8], $0x0  }
0x24: {  	s3 =	sadd.s32 $0x88, s3;
	s6 =	simm.s32 @!p1 $0x1082;
	[sflag:s4] =	ssyncset.s32 $0xFFFFF086  }
0x25: {  	[simem:s6], [sflag:s4] =	dma.local [hbm:s3], $0xF7A  }
0x26: {  	[smem:$0x3F9D] =	sst s1;
	(tag) =	ssettag s2;
	_ =	strace s9  }
0x27: {  	s1 =	sld [smem:$0x3FAD]  }
0x28: {  	s2 =	sld [smem:$0x3FAE]  }
0x29: {  	s4 =	sld [smem:$0x3FB0]  }
0x2a: {  	p0 =	seq.s32 s5, $0x0;
	s5 =	sld [smem:$0x3FB1]  }
0x2b: {  	s6 =	sld [smem:$0x3FB2]  }
0x2c: {  	s7 =	sld [smem:$0x3FB3]  }
0x2d: {  	s3 =	simm.s32 $0x108;
	s8 =	sld [smem:$0x3FB4]  }
0x2e: {  	s3 =	simm.s32 @!p0 $0x1082;
	s9 =	sld [smem:$0x3FB5]  }
0x2f: {  	lr =	sadd.s32 s0, s3;
	s0 =	sld [smem:$0x3FAC]  }
0x30: {  	s3 =	sld [smem:$0x3FAF]  }
0x31: {  	[smem:$0x3FB8] =	sst s10  }
0x32: {  	s10 =	sld [smem:$0x3FB6];
	_ =	sdelay $0x3  }
0x33: {  	p0 =	seq.s32 s10, $0x1;
	s10 =	sld [smem:$0x3FB8];
	_ =	sdelay $0x3  }
0x34: {  	[smem:$0x3FB8] =	sst s10  }
0x35: {  	s10 =	sld [smem:$0x3FB7];
	_ =	sdelay $0x3  }
0x36: {  	p1 =	seq.s32 s10, $0x1;
	s10 =	sld [smem:$0x3FB8];
	_ =	sdelay $0x3  }
0x37: {  	[smem:$0x3FB8] =	sst s10  }
0x38: {  	s10 =	sld [smem:$0x3FB9]  }
0x39: {  	_ = 	snop;
	(pc) =	sbr.ind lr, $3  }
0x3a: {  	_ = 	snop  }
0x3b: {  	_ = 	snop  }
0x3c: {  	p2 =	seq.s32 s10, $0x1;
	s10 =	sld [smem:$0x3FB8]  }
0x3d: {  	_ =	shalt  }
0x3e: {  	_ =	shalt  }
0x3f: {  	_ =	shalt  }
0x40: {  	_ =	shalt  }
0x41: {  	_ =	shalt  }
0x42: {  	_ =	shalt  }
0x43: {  	_ =	shalt  }
0x44: {  	_ =	shalt  }
0x45: {  	_ =	shalt  }
0x46: {  	_ =	shalt  }
0x47: {  	_ =	shalt  }
0x48: {  	_ =	shalt  }
0x49: {  	_ =	shalt  }
0x4a: {  	_ =	shalt  }
0x4b: {  	_ =	shalt  }
0x4c: {  	_ =	shalt  }
0x4d: {  	_ =	shalt  }
0x4e: {  	_ =	shalt  }
0x4f: {  	_ =	shalt  }
0x50: {  	_ =	shalt  }
0x51: {  	_ =	shalt  }
0x52: {  	_ =	shalt  }
0x53: {  	_ =	shalt  }
0x54: {  	_ =	shalt  }
0x55: {  	_ =	shalt  }
0x56: {  	_ =	shalt  }
0x57: {  	_ =	shalt  }
0x58: {  	_ =	shalt  }
0x59: {  	_ =	shalt  }
0x5a: {  	_ =	shalt  }
0x5b: {  	_ =	shalt  }
0x5c: {  	_ =	shalt  }
0x5d: {  	_ =	shalt  }
0x5e: {  	_ =	shalt  }
0x5f: {  	_ =	shalt  }
0x60: {  	_ =	shalt  }
0x61: {  	_ =	shalt  }
0x62: {  	_ =	shalt  }
0x63: {  	_ =	shalt  }
0x64: {  	_ =	shalt  }
0x65: {  	_ =	shalt  }
0x66: {  	_ =	shalt  }
0x67: {  	_ =	shalt  }
0x68: {  	_ =	shalt  }
0x69: {  	_ =	shalt  }
0x6a: {  	_ =	shalt  }
0x6b: {  	_ =	shalt  }
0x6c: {  	_ =	shalt  }
0x6d: {  	_ =	shalt  }
0x6e: {  	_ =	shalt  }
0x6f: {  	_ =	shalt  }
0x70: {  	_ =	shalt  }
0x71: {  	_ =	shalt  }
0x72: {  	_ =	shalt  }
0x73: {  	_ =	shalt  }
0x74: {  	_ =	shalt  }
0x75: {  	_ =	shalt  }
0x76: {  	_ =	shalt  }
0x77: {  	_ =	shalt  }
0x78: {  	_ =	shalt  }
0x79: {  	_ =	shalt  }
0x7a: {  	_ =	shalt  }
0x7b: {  	_ =	shalt  }
0x7c: {  	_ =	shalt  }
0x7d: {  	_ =	shalt  }
0x7e: {  	_ =	shalt  }
0x7f: {  	_ =	shalt  }
0x80: {  	_ =	shalt  }
0x81: {  	_ =	shalt  }
0x82: {  	_ =	shalt  }
0x83: {  	_ =	shalt  }
0x84: {  	_ =	shalt  }
0x85: {  	_ =	shalt  }
0x86: {  	_ =	shalt  }
0x87: {  	_ =	shalt  }
.Lfunc_end0:
.L_simem_size_0:
called_computation.3_lowered:
.L_overlay_start_0:
0x88: {  	s2 =	sld [smem:$0x3FD9]  }
0x89: {  	s3 =	sld [smem:$0x3FFE];
	_ =	sdelay $0x1  }
0x8a: {  	s1 =	srdreg.scid  }
0x8b: {  	s0 =	sand.u32 $0x1, s1  }
0x8c: {  	s17 =	sshll.u32 s0, $0xA;
	s2 =	sadd.s32 s3, s2  }
0x8d: {  	s2 =	sadd.s32 s2, s17  }
0x8e: {  	[smem:$0x3FC4] =	sst s2  }
0x8f: {  	_ = 	snop  }
0x90: {  	s18 =	sld [smem:$0x3FC8];
	(tm) =	ssettm $0x1  }
0x91: {  	s19 =	sld [smem:$0x3FFB];
	_ =	sdelay $0x3  }
0x92: {  	_ =	strace s19  }
0x93: {  	s2 =	sld [smem:$0x3FFC];
	_ =	sdelay $0x3  }
0x94: {  	_ =	strace s2  }
0x95: {  	s2 =	sld [smem:$0x3FFD];
	_ =	sdelay $0x3  }
0x96: {  	_ =	strace s2  }
0x97: {  	_ =	strace $0x8FFFFFFF  }
0x98: {  	s20 =	sld [smem:$0x3FDB];
	_ =	sdelay $0x1  }
0x99: {  	s4 =	simm.s32 $_scs_section_size  }
0x9a: {  	s5 =	simm.s32 $_size__tile_overlayer_lowered;
	s6 =	simm.s32 $_tile_overlayer_lowered  }
0x9b: {  	s7 =	simm.s32 $0x1BFF;
	s21 =	sshll.u32 s6, $0x1;
	s4 =	sadd.s32 s4, s20  }
0x9c: {  	s22 =	simm.s32 $0x0;
	s5 =	sshll.u32 s5, $0x1;
	s6 =	sadd.s32 s21, s4  }
0x9d: {  	[timem:s22], [sflag:s7] =	dma.local [hbm:s6], s5  }
0x9e: {  	_ =	swait.ge [sflag:s7], s5  }
0x9f: {  	s5 =	ssub.s32 $0x0, s5;
	[sflag:s7] =	ssyncset.done $0x0  }
0xa0: {  	[sflag:s7] =	ssyncadd.s32 s5;
	_ =	sdelay $0x1  }
0xa1: {  	s23 =	simm.s32 $0x1B8B  }
0xa2: {  	_ =	swait.ge [sflag:s23], $0x1  }
0xa3: {  	[sflag:s23] =	ssyncset.done $0x0  }
0xa4: {  	[sflag:s23] =	ssyncadd.s32 $0xFFFFFFFF  }
0xa5: {  	s5 =	sld [smem:$0x0]  }
0xa6: {  	s6 =	sand.u32 $0xFFFFFFFE, s1  }
0xa7: {  	p0 =	sne.s32 s1, s6  }
0xa8: {  	s6 =	sshll.u32 @p0 s6, $0xE  }
0xa9: {  	s6 =	sadd.s32 @p0 $0x11B8D, s6;
	s7 =	sshll.u32 @p0 s5, $0x11  }
0xaa: {  	s6 =	sor.u32 @p0 s7, s6  }
0xab: {  	[sflag:s6] =	ssyncadd.remote.s32 @p0 $0x1;
	_ =	sdelay $0x1  }
0xac: {  	s6 =	simm.s32 @p0 $0x1B8D  }
0xad: {  	_ =	swait.eq @p0 [sflag:s6], $0x1  }
0xae: {  	[sflag:s6] =	ssyncadd.s32 @p0 $0xFFFFFFFF  }
0xaf: {  	s7 =	sshll.u32 @!p0 s1, $0xE  }
0xb0: {  	s7 =	sor.u32 @!p0 $0x4000, s7;
	s6 =	simm.s32 @!p0 $0x1B8D  }
0xb1: {  	s5 =	sshll.u32 @!p0 s5, $0x11;
	s7 =	sadd.s32 @!p0 $0x11B8D, s7;
	_ =	swait.eq @!p0 [sflag:s6], $0x1  }
0xb2: {  	s5 =	sor.u32 @!p0 s5, s7;
	[sflag:s6] =	ssyncadd.s32 @!p0 $0xFFFFFFFF  }
0xb3: {  	s25 =	simm.s32 $0x1B8E;
	s24 =	sld [smem:$0x3FFE];
	[sflag:s5] =	ssyncadd.remote.s32 @!p0 $0x1  }
0xb4: {  	s26 =	simm.s32 $execute0_lowered;
	[smem:$0x3FD2] =	sst s25  }
0xb5: {  	s6 =	sshll.u32 s26, $0x1;
	_ =	strace $0x8000004F;
	[dreg:$0x1] =	wrdreg $0xFFFFFFFF  }
0xb6: {  	s28 =	simm.s32 $_size_execute0_lowered;
	s4 =	sadd.s32 s4, s6;
	[dreg:$0x0] =	wrdreg $0x0  }
0xb7: {  	s6 =	sshll.u32 s28, $0x1;
	[dreg:$0x2] =	wrdreg s4  }
0xb8: {  	[dreg:$0x3] =	wrdreg s6  }
0xb9: {  	[dreg:$0x4] =	wrdreg $0xC0  }
0xba: {  	_ =	task [dreg:s22], $0x5FFFF  }
0xbb: {  	[dreg:$0x1] =	wrdreg $0xFFFFFFFF  }
0xbc: {  	[dreg:$0x0] =	wrdreg $0x60  }
0xbd: {  	[dreg:$0x2] =	wrdreg s24  }
0xbe: {  	[dreg:$0x3] =	wrdreg s18  }
0xbf: {  	[dreg:$0x4] =	wrdreg $0xC  }
0xc0: {  	_ =	task.clear_ibuf [dreg:s22], $0x5FFFF;
	_ =	strace $0x9000004F  }
0xc1: {  	s29 =	simm.s32 $0xC;
	_ =	strace $0x80000051  }
0xc2: {  	_ =	swait.ge [sflag:s29], $0x1  }
0xc3: {  	[sflag:s29] =	ssyncadd.s32 $0xFFFFFFFF  }
0xc4: {  	_ =	strace $0x90000051  }
0xc5: {  	_ =	sfence  }
0xc6: {  	s30 =	sld [smem:$0x0];
	_ =	sdelay $0x2  }
0xc7: {  	s31 =	sshll.u32 s1, $0xD;
	s1 =	sshrl.u32 s1, $0x2  }
0xc8: {  	s4 =	sand.u32 $0x4000, s31;
	s1 =	sadd.s32 s1, s30  }
0xc9: {  	s0 =	sor.u32 s4, s0;
	s1 =	sshll.u32 s1, $0x11  }
0xca: {  	s0 =	sor.u32 s1, s0  }
0xcb: {  	s0 =	sadd.s32 $0x8F2B, s0  }
0xcc: {  	[sflag:s0] =	ssyncadd.remote.s32 $0x1  }
0xcd: {  	_ =	sfence.sel $0xFFFF  }
0xce: {  	[dreg:$0x0] =	wrdreg $0xFFFFFFFF;
	(pc) =	sbr.abs _section_cstart, $3  }
0xcf: {  	[dreg:$0x1] =	wrdreg $0xFFFFFFFF  }
0xd0: {  	_ =	task.clear_ibuf [dreg:s22], $0x2FFFF;
	_ =	strace $0x9FFFFFFF  }
0xd1: {  	(tm) =	ssettm $0x7FFFFFFF  }
tec
execute0_lowered:
.L_overlay_start_1:
0x0: {  	(tag) =	ssettag $0x1  }
0x1: {  	s1 =	srdreg.scid;
	s3 =	rddreg [dreg:$0x0]  }
0x2: {  	s0 =	stileid.u32;
	s5 =	rddreg [dreg:$0x1]  }
0x3: {  	s2 =	simm.s32 $0x0;
	s11 =	simm.s32 $0x400;
	s12 =	simm.s32 $0x0  }
0x4: {  	s4 =	sand.u32 $0x1, s1;
	s30 =	sshll.u32 s0, $0x1;
	s1 =	rddreg [dreg:$0x2]  }
0x5: {  	[smem:$0x7FF] =	sst s2;
	s9 =	sshll.u32 s0, $0xA;
	s6 =	sor.u32 s4, s30  }
0x6: {  	_ =	strace $0x80000050;
	s4 =	ssub.s32 $0x2, s4;
	s9 =	sand.u32 $0x3000, s9  }
0x7: {  	s7 =	smul.u32 $0x1388, s6;
	s10 =	sshrl.u32 s4, $0x1;
	s6 =	sshll.u32 s6, $0x4  }
0x8: {  	s9 =	sadd.s32 s9, s3;
	s10 =	ssub.s32 s4, s10;
	s31 =	sand.u32 $0x70, s6  }
0x9: {  	s7 =	sshrl.u32 s7, $0x3;
	s6 =	sadd.s32 s31, s9;
	s9 =	simm.s32 $0x2800  }
0xa: {  	s8 =	sadd.s32 s7, s3;
	s5 =	sadd.s32 s5, s7;
	s7 =	simm.s32 $0x1  }
0xb: {  	s3 =	sadd.s32 $0xC52000, s8;
	s4 =	sadd.s32 $0xEA60, s5;
	s5 =	sadd.s32 $0xC57000, s6  }
0xc: {  	v0 =	vimm.f32 $0.0e+00;
	s6 =	smax.u32 s10, $0x1;
	s8 =	simm.s32 $0x1400;
	s10 =	simm.s32 $0x80  }
.LBB2_1:
0xd: {  	[tilespmem:s2], [sflag:$0x1] =	stream.linear.gather [hbm4b:s3+s2], $0x1388, $0x38;
	[tilespmem:$0x3800] =	vst v63  }
0xe: {  	_ =	swait.ge [sflag:s7], $0x1388  }
0xf: {  	[sflag:s7] =	ssyncset.done $0x0  }
0x10: {  	[sflag:s7] =	ssyncadd.s32 $0xFFFFEC78  }
0x11: {  	[tilespmem:s8], [sflag:$0x1] =	stream.linear.gather [hbm4b:s4+s2], $0x1388, $0x38;
	[tilespmem:$0x3800] =	vst v63  }
0x12: {  	_ =	swait.ge [sflag:s7], $0x1388  }
0x13: {  	[sflag:s7] =	ssyncset.done $0x0  }
0x14: {  	s13 =	simm.s32 $0x0;
	s14 =	simm.s32 $0x200;
	[sflag:s7] =	ssyncadd.s32 $0xFFFFEC78  }
.LBB2_2:
0x15: {  	p0 =	sne.s32 s14, $0x3E00;
	[tilespmem:s13+$0x2870] =	vst v0  }
0x16: {  	[tilespmem:s13+$0x2800] =	vst v0  }
0x17: {  	[tilespmem:s13+$0x2810] =	vst v0  }
.Ltmp0:
0x18: {  	[tilespmem:s13+$0x2820] =	vst v0;
	(pc) =	sbr.rel @p0 .LBB2_2-.Ltmp0, $4  }
0x19: {  	[tilespmem:s13+$0x2830] =	vst v0  }
0x1a: {  	[tilespmem:s13+$0x2840] =	vst v0  }
0x1b: {  	[tilespmem:s13+$0x2850] =	vst v0  }
0x1c: {  	[tilespmem:s13+$0x2860] =	vst v0;
	s13 =	sshra.s32 s14, $0x2;
	s14 =	sadd.s32 $0x200, s14  }
0x1d: {  	[tilespmem:s13+$0x2870] =	vst v0  }
0x1e: {  	[tilespmem:s13+$0x2800] =	vst v0  }
0x1f: {  	[tilespmem:s13+$0x2810] =	vst v0  }
0x20: {  	[tilespmem:s13+$0x2820] =	vst v0  }
0x21: {  	[tilespmem:s13+$0x2830] =	vst v0  }
0x22: {  	[tilespmem:s13+$0x2840] =	vst v0  }
0x23: {  	[tilespmem:s13+$0x2850] =	vst v0  }
0x24: {  	[tilespmem:s13+$0x2860] =	vst v0;
	s14 =	simm.s32 $0x0;
	s13 =	simm.s32 $0x40  }
.LBB2_4:
0x25: {  	p0 =	sne.s32 s13, $0x4DC0;
	v1 =	vld [tilespmem:s14+$0x1400];
	_ =	sdelay $0x2  }
0x26: {  	v2 =	vld [tilespmem:s14+$0x0]  }
.Ltmp1:
0x27: {  	(pc) =	sbr.rel @p0 .LBB2_4-.Ltmp1, $2  }
0x28: {  	_ =	sdelay $0x2  }
0x29: {  	s14 =	sshra.s32 s13, $0x2;
	s13 =	sadd.s32 $0x40, s13;
	[tilespmem:v1+s9+$0x0] =	vst.idx.add.f32.msk $0xffff, v2  }
0x2a: {  	v1 =	vld [tilespmem:s14+$0x1400];
	_ =	sdelay $0x2  }
0x2b: {  	v2 =	vld [tilespmem:s14+$0x0];
	_ =	sdelay $0x4  }
0x2c: {  	[tilespmem:v1+s9+$0x0] =	vst.idx.add.f32.msk $0xffff, v2  }
0x2d: {  	v1 =	vld [tilespmem:$0x2780];
	_ =	sdelay $0x2  }
0x2e: {  	v2 =	vld [tilespmem:$0x1380];
	_ =	sdelay $0x2  }
0x2f: {  	s12 =	sadd.s32 $0x1, s12  }
0x30: {  	p0 =	sne.s32 s12, s6  }
.Ltmp2:
0x31: {  	[tilespmem:v1+s9+$0x0] =	vst.idx.add.f32.msk $0xff, v2;
	(pc) =	sbr.rel @p0 .LBB2_1-.Ltmp2, $4  }
0x32: {  	[hbm4b:s5+s10] =	stream.strided.scatter [tilespmem:s9], [sflag:$0x1], $0x1000, s11, s10, $0x38;
	[tilespmem:$0x3800] =	vst v63  }
0x33: {  	_ =	swait.ge [sflag:s7], $0x1000  }
0x34: {  	[sflag:s7] =	ssyncset.done $0x0  }
0x35: {  	[sflag:s7] =	ssyncadd.s32 $0xFFFFF000  }
0x36: {  	_ =	sfence.sel $0x180000  }
0x37: {  	[bflag:$0x0] =	sbarrier.arrive $0xFFFF  }
0x38: {  	p0 =	sne.s32 s0, $0x0;
	_ =	strace $0x90000050  }
0x39: {  	s0 =	sadd.s32 @!p0 $0x100000, s1;
	[bflag:$0x2] =	sbarrier.arrive $0xFFFF  }
0x3a: {  	[sflag:s0] =	ssyncadd.tile.s32 @!p0 $0x1;
	_ =	shalt  }
.Lfunc_end2:
_tile_overlayer_lowered:
.L_overlay_start_2:
0x3b: {  	(tag) =	ssettag $0x2  }
0x3c: {  	s0 =	rddreg [dreg:$0x0];
	s2 =	stileid.u32  }
0x3d: {  	s1 =	rddreg [dreg:$0x1];
	p0 =	sne.s32 s2, $0x0  }
0x3e: {  	s3 =	rddreg [dreg:$0x2];
	[bflag:$0x3] =	sbarrier.arrive $0xFFFF;
	s2 =	simm.s32 @!p0 $0x1C01  }
0x3f: {  	[timem:s3], [sflag:s2] =	dma.local @!p0 [hbm:s0], s1  }
0x40: {  	s0 =	simm.s32 @!p0 $0x1  }
0x41: {  	_ =	swait.ge @!p0 [sflag:s0], s1  }
0x42: {  	s1 =	ssub.s32 @!p0 $0x0, s1;
	[sflag:s0] =	ssyncset.done @!p0 $0x0  }
0x43: {  	[sflag:s0] =	ssyncadd.s32 @!p0 s1  }
0x44: {  	[bflag:$0x3] =	sbarrier.arrive $0xFFFF  }
0x45: {  	_ =	shalt  }

// kernel: kernel.25.cloned.1.call-start
scs
__scs_entry_jumppad:
0x0: {  	(pc) =	sbr.rel $0x88, $3  }
0x1: {  	(tag) =	ssettag $0x0;
	lr =	simm.s32 $0x1  }
0x2: {  	[smem:$0x3F9D] =	sst lr;
	_ =	strace $0xD0000000  }
0x3: {  	_ = 	snop  }
0x4: {  	_ = 	snop  }
0x5: {  	_ = 	snop  }
0x6: {  	_ = 	snop  }
0x7: {  	_ = 	snop  }
__scs_overlays_trampoline_lowered:
0x8: {  	[smem:$0x3FAC] =	sst s0  }
0x9: {  	[smem:$0x3FAD] =	sst s1  }
0xa: {  	[smem:$0x3FAE] =	sst s2  }
0xb: {  	[smem:$0x3FAF] =	sst s3  }
0xc: {  	[smem:$0x3FB0] =	sst s4  }
0xd: {  	[smem:$0x3FB1] =	sst s5  }
0xe: {  	[smem:$0x3FB2] =	sst s6  }
0xf: {  	[smem:$0x3FB3] =	sst s7  }
0x10: {  	[smem:$0x3FB4] =	sst s8  }
0x11: {  	[smem:$0x3FB5] =	sst s9;
	s0 =	simm.s32 @!p0 $0x0  }
0x12: {  	s1 =	sld [smem:$0x3F9B];
	s0 =	simm.s32 @p0 $0x1  }
0x13: {  	[smem:$0x3FB6] =	sst s0;
	s0 =	simm.s32 @!p1 $0x0  }
0x14: {  	s2 =	sld [smem:$0x3F9A];
	s0 =	simm.s32 @p1 $0x1  }
0x15: {  	[smem:$0x3FB7] =	sst s0;
	s0 =	simm.s32 @!p2 $0x0  }
0x16: {  	s3 =	sld [smem:$0x3FDB];
	s0 =	simm.s32 @p2 $0x1  }
0x17: {  	s4 =	simm.s32 $0x1BF5;
	[smem:$0x3FB9] =	sst s0  }
0x18: {  	s0 =	sld [smem:$0x3F9C];
	_ =	swait.ge [sflag:s4], $0x0  }
0x19: {  	s7 =	sld [smem:$0x3F9D]  }
0x1a: {  	s8 =	sadd.s32 $0xFFFFE003, lr  }
0x1b: {  	s9 =	sadd.s32 $0xFFFFFEF7, lr;
	s5 =	simm.s32 $0xFFFFFFFF;
	p2 =	slt.u32 s8, $0xFFFFF086  }
0x1c: {  	p1 =	slt.u32 s9, $0xF7A;
	s5 =	simm.s32 @!p2 $0x0  }
0x1d: {  	s5 =	simm.s32 @p1 $0x1;
	p0 =	seq.s32 s7, s2  }
0x1e: {  	s7 =	smul.u32 @!p0 $0xF7A, s2;
	p2 =	seq.s32 @!p0 s5, $0x0  }
0x1f: {  	s9 =	smul.u32 $0xF7A, s1;
	s8 =	simm.s32 @!p0 $0x1BF5;
	p2 =	por !p2, p0  }
0x20: {  	[sflag:s8] =	ssyncset.s32 @!p0 $0xFFFFF086;
	s6 =	sadd.s32 @!p0 s3, s7;
	s7 =	simm.s32 @!p0 $0x108  }
0x21: {  	s3 =	sadd.s32 s3, s9;
	s6 =	sadd.s32 @!p0 $0x88, s6;
	s7 =	simm.s32 @p2 $0x1082  }
0x22: {  	[simem:s7], [sflag:s8] =	dma.local @!p0 [hbm:s6], $0xF7A  }
0x23: {  	s9 =	sor.u32 $0xD0000000, s2;
	s6 =	simm.s32 $0x108;
	_ =	swait.ge @!p0 [sflag:s8], $0x0  }
0x24: {  	s3 =	sadd.s32 $0x88, s3;
	s6 =	simm.s32 @!p1 $0x1082;
	[sflag:s4] =	ssyncset.s32 $0xFFFFF086  }
0x25: {  	[simem:s6], [sflag:s4] =	dma.local [hbm:s3], $0xF7A  }
0x26: {  	[smem:$0x3F9D] =	sst s1;
	(tag) =	ssettag s2;
	_ =	strace s9  }
0x27: {  	s1 =	sld [smem:$0x3FAD]  }
0x28: {  	s2 =	sld [smem:$0x3FAE]  }
0x29: {  	s4 =	sld [smem:$0x3FB0]  }
0x2a: {  	p0 =	seq.s32 s5, $0x0;
	s5 =	sld [smem:$0x3FB1]  }
0x2b: {  	s6 =	sld [smem:$0x3FB2]  }
0x2c: {  	s7 =	sld [smem:$0x3FB3]  }
0x2d: {  	s3 =	simm.s32 $0x108;
	s8 =	sld [smem:$0x3FB4]  }
0x2e: {  	s3 =	simm.s32 @!p0 $0x1082;
	s9 =	sld [smem:$0x3FB5]  }
0x2f: {  	lr =	sadd.s32 s0, s3;
	s0 =	sld [smem:$0x3FAC]  }
0x30: {  	s3 =	sld [smem:$0x3FAF]  }
0x31: {  	[smem:$0x3FB8] =	sst s10  }
0x32: {  	s10 =	sld [smem:$0x3FB6];
	_ =	sdelay $0x3  }
0x33: {  	p0 =	seq.s32 s10, $0x1;
	s10 =	sld [smem:$0x3FB8];
	_ =	sdelay $0x3  }
0x34: {  	[smem:$0x3FB8] =	sst s10  }
0x35: {  	s10 =	sld [smem:$0x3FB7];
	_ =	sdelay $0x3  }
0x36: {  	p1 =	seq.s32 s10, $0x1;
	s10 =	sld [smem:$0x3FB8];
	_ =	sdelay $0x3  }
0x37: {  	[smem:$0x3FB8] =	sst s10  }
0x38: {  	s10 =	sld [smem:$0x3FB9]  }
0x39: {  	_ = 	snop;
	(pc) =	sbr.ind lr, $3  }
0x3a: {  	_ = 	snop  }
0x3b: {  	_ = 	snop  }
0x3c: {  	p2 =	seq.s32 s10, $0x1;
	s10 =	sld [smem:$0x3FB8]  }
0x3d: {  	_ =	shalt  }
0x3e: {  	_ =	shalt  }
0x3f: {  	_ =	shalt  }
0x40: {  	_ =	shalt  }
0x41: {  	_ =	shalt  }
0x42: {  	_ =	shalt  }
0x43: {  	_ =	shalt  }
0x44: {  	_ =	shalt  }
0x45: {  	_ =	shalt  }
0x46: {  	_ =	shalt  }
0x47: {  	_ =	shalt  }
0x48: {  	_ =	shalt  }
0x49: {  	_ =	shalt  }
0x4a: {  	_ =	shalt  }
0x4b: {  	_ =	shalt  }
0x4c: {  	_ =	shalt  }
0x4d: {  	_ =	shalt  }
0x4e: {  	_ =	shalt  }
0x4f: {  	_ =	shalt  }
0x50: {  	_ =	shalt  }
0x51: {  	_ =	shalt  }
0x52: {  	_ =	shalt  }
0x53: {  	_ =	shalt  }
0x54: {  	_ =	shalt  }
0x55: {  	_ =	shalt  }
0x56: {  	_ =	shalt  }
0x57: {  	_ =	shalt  }
0x58: {  	_ =	shalt  }
0x59: {  	_ =	shalt  }
0x5a: {  	_ =	shalt  }
0x5b: {  	_ =	shalt  }
0x5c: {  	_ =	shalt  }
0x5d: {  	_ =	shalt  }
0x5e: {  	_ =	shalt  }
0x5f: {  	_ =	shalt  }
0x60: {  	_ =	shalt  }
0x61: {  	_ =	shalt  }
0x62: {  	_ =	shalt  }
0x63: {  	_ =	shalt  }
0x64: {  	_ =	shalt  }
0x65: {  	_ =	shalt  }
0x66: {  	_ =	shalt  }
0x67: {  	_ =	shalt  }
0x68: {  	_ =	shalt  }
0x69: {  	_ =	shalt  }
0x6a: {  	_ =	shalt  }
0x6b: {  	_ =	shalt  }
0x6c: {  	_ =	shalt  }
0x6d: {  	_ =	shalt  }
0x6e: {  	_ =	shalt  }
0x6f: {  	_ =	shalt  }
0x70: {  	_ =	shalt  }
0x71: {  	_ =	shalt  }
0x72: {  	_ =	shalt  }
0x73: {  	_ =	shalt  }
0x74: {  	_ =	shalt  }
0x75: {  	_ =	shalt  }
0x76: {  	_ =	shalt  }
0x77: {  	_ =	shalt  }
0x78: {  	_ =	shalt  }
0x79: {  	_ =	shalt  }
0x7a: {  	_ =	shalt  }
0x7b: {  	_ =	shalt  }
0x7c: {  	_ =	shalt  }
0x7d: {  	_ =	shalt  }
0x7e: {  	_ =	shalt  }
0x7f: {  	_ =	shalt  }
0x80: {  	_ =	shalt  }
0x81: {  	_ =	shalt  }
0x82: {  	_ =	shalt  }
0x83: {  	_ =	shalt  }
0x84: {  	_ =	shalt  }
0x85: {  	_ =	shalt  }
0x86: {  	_ =	shalt  }
0x87: {  	_ =	shalt  }
.Lfunc_end0:
.L_simem_size_0:
called_computation.4_lowered:
.L_overlay_start_0:
0x88: {  	s2 =	sld [smem:$0x3FD9]  }
0x89: {  	s3 =	sld [smem:$0x3FFE];
	_ =	sdelay $0x1  }
0x8a: {  	s1 =	srdreg.scid  }
0x8b: {  	s0 =	sand.u32 $0x1, s1  }
0x8c: {  	s17 =	sshll.u32 s0, $0xA;
	s2 =	sadd.s32 s3, s2  }
0x8d: {  	s2 =	sadd.s32 s2, s17  }
0x8e: {  	[smem:$0x3FC4] =	sst s2  }
0x8f: {  	_ = 	snop  }
0x90: {  	s18 =	sld [smem:$0x3FC8];
	(tm) =	ssettm $0x1  }
0x91: {  	s19 =	sld [smem:$0x3FFB];
	_ =	sdelay $0x3  }
0x92: {  	_ =	strace s19  }
0x93: {  	s2 =	sld [smem:$0x3FFC];
	_ =	sdelay $0x3  }
0x94: {  	_ =	strace s2  }
0x95: {  	s2 =	sld [smem:$0x3FFD];
	_ =	sdelay $0x3  }
0x96: {  	_ =	strace s2  }
0x97: {  	_ =	strace $0x8FFFFFFF  }
0x98: {  	s20 =	sld [smem:$0x3FDB];
	_ =	sdelay $0x1  }
0x99: {  	s4 =	simm.s32 $_scs_section_size  }
0x9a: {  	s5 =	simm.s32 $_size__tile_overlayer_lowered;
	s6 =	simm.s32 $_tile_overlayer_lowered  }
0x9b: {  	s7 =	simm.s32 $0x1BFF;
	s21 =	sshll.u32 s6, $0x1;
	s4 =	sadd.s32 s4, s20  }
0x9c: {  	s22 =	simm.s32 $0x0;
	s5 =	sshll.u32 s5, $0x1;
	s6 =	sadd.s32 s21, s4  }
0x9d: {  	[timem:s22], [sflag:s7] =	dma.local [hbm:s6], s5  }
0x9e: {  	_ =	swait.ge [sflag:s7], s5  }
0x9f: {  	s5 =	ssub.s32 $0x0, s5;
	[sflag:s7] =	ssyncset.done $0x0  }
0xa0: {  	[sflag:s7] =	ssyncadd.s32 s5;
	_ =	sdelay $0x1  }
0xa1: {  	s23 =	simm.s32 $0x1B8B  }
0xa2: {  	_ =	swait.ge [sflag:s23], $0x1  }
0xa3: {  	[sflag:s23] =	ssyncset.done $0x0  }
0xa4: {  	[sflag:s23] =	ssyncadd.s32 $0xFFFFFFFF  }
0xa5: {  	s5 =	sld [smem:$0x0]  }
0xa6: {  	s6 =	sand.u32 $0xFFFFFFFE, s1  }
0xa7: {  	p0 =	sne.s32 s1, s6  }
0xa8: {  	s6 =	sshll.u32 @p0 s6, $0xE  }
0xa9: {  	s6 =	sadd.s32 @p0 $0x11B8D, s6;
	s7 =	sshll.u32 @p0 s5, $0x11  }
0xaa: {  	s6 =	sor.u32 @p0 s7, s6  }
0xab: {  	[sflag:s6] =	ssyncadd.remote.s32 @p0 $0x1;
	_ =	sdelay $0x1  }
0xac: {  	s6 =	simm.s32 @p0 $0x1B8D  }
0xad: {  	_ =	swait.eq @p0 [sflag:s6], $0x1  }
0xae: {  	[sflag:s6] =	ssyncadd.s32 @p0 $0xFFFFFFFF  }
0xaf: {  	s7 =	sshll.u32 @!p0 s1, $0xE  }
0xb0: {  	s7 =	sor.u32 @!p0 $0x4000, s7;
	s6 =	simm.s32 @!p0 $0x1B8D  }
0xb1: {  	s5 =	sshll.u32 @!p0 s5, $0x11;
	s7 =	sadd.s32 @!p0 $0x11B8D, s7;
	_ =	swait.eq @!p0 [sflag:s6], $0x1  }
0xb2: {  	s5 =	sor.u32 @!p0 s5, s7;
	[sflag:s6] =	ssyncadd.s32 @!p0 $0xFFFFFFFF  }
0xb3: {  	s25 =	simm.s32 $0x1B8E;
	s24 =	sld [smem:$0x3FFE];
	[sflag:s5] =	ssyncadd.remote.s32 @!p0 $0x1  }
0xb4: {  	s26 =	simm.s32 $execute0_lowered;
	[smem:$0x3FD2] =	sst s25  }
0xb5: {  	s6 =	sshll.u32 s26, $0x1;
	_ =	strace $0x80000052;
	[dreg:$0x1] =	wrdreg $0xFFFFFFFF  }
0xb6: {  	s28 =	simm.s32 $_size_execute0_lowered;
	s4 =	sadd.s32 s4, s6;
	[dreg:$0x0] =	wrdreg $0x0  }
0xb7: {  	s6 =	sshll.u32 s28, $0x1;
	[dreg:$0x2] =	wrdreg s4  }
0xb8: {  	[dreg:$0x3] =	wrdreg s6  }
0xb9: {  	[dreg:$0x4] =	wrdreg $0xC0  }
0xba: {  	_ =	task [dreg:s22], $0x5FFFF  }
0xbb: {  	[dreg:$0x1] =	wrdreg $0xFFFFFFFF  }
0xbc: {  	[dreg:$0x0] =	wrdreg $0x60  }
0xbd: {  	[dreg:$0x2] =	wrdreg s24  }
0xbe: {  	[dreg:$0x3] =	wrdreg s18  }
0xbf: {  	[dreg:$0x4] =	wrdreg $0xD  }
0xc0: {  	_ =	task.clear_ibuf [dreg:s22], $0x5FFFF;
	_ =	strace $0x90000052  }
0xc1: {  	s29 =	simm.s32 $0xD;
	_ =	strace $0x80000054  }
0xc2: {  	_ =	swait.ge [sflag:s29], $0x1  }
0xc3: {  	[sflag:s29] =	ssyncadd.s32 $0xFFFFFFFF  }
0xc4: {  	_ =	strace $0x90000054  }
0xc5: {  	_ =	sfence  }
0xc6: {  	s30 =	sld [smem:$0x0];
	_ =	sdelay $0x2  }
0xc7: {  	s31 =	sshll.u32 s1, $0xD;
	s1 =	sshrl.u32 s1, $0x2  }
0xc8: {  	s4 =	sand.u32 $0x4000, s31;
	s1 =	sadd.s32 s1, s30  }
0xc9: {  	s0 =	sor.u32 s4, s0;
	s1 =	sshll.u32 s1, $0x11  }
0xca: {  	s0 =	sor.u32 s1, s0  }
0xcb: {  	s0 =	sadd.s32 $0x8F2B, s0  }
0xcc: {  	[sflag:s0] =	ssyncadd.remote.s32 $0x1  }
0xcd: {  	_ =	sfence.sel $0xFFFF  }
0xce: {  	[dreg:$0x0] =	wrdreg $0xFFFFFFFF;
	(pc) =	sbr.abs _section_cstart, $3  }
0xcf: {  	[dreg:$0x1] =	wrdreg $0xFFFFFFFF  }
0xd0: {  	_ =	task.clear_ibuf [dreg:s22], $0x2FFFF;
	_ =	strace $0x9FFFFFFF  }
0xd1: {  	(tm) =	ssettm $0x7FFFFFFF  }
tec
execute0_lowered:
.L_overlay_start_1:
0x0: {  	(tag) =	ssettag $0x1  }
0x1: {  	s1 =	srdreg.scid;
	s3 =	rddreg [dreg:$0x0]  }
0x2: {  	s0 =	stileid.u32;
	s5 =	rddreg [dreg:$0x1]  }
0x3: {  	s2 =	simm.s32 $0x0;
	s11 =	simm.s32 $0x400;
	s12 =	simm.s32 $0x0  }
0x4: {  	s4 =	sand.u32 $0x1, s1;
	s30 =	sshll.u32 s0, $0x1;
	s1 =	rddreg [dreg:$0x2]  }
0x5: {  	[smem:$0x7FF] =	sst s2;
	s9 =	sshll.u32 s0, $0xA;
	s6 =	sor.u32 s4, s30  }
0x6: {  	_ =	strace $0x80000053;
	s4 =	ssub.s32 $0x2, s4;
	s9 =	sand.u32 $0x3000, s9  }
0x7: {  	s7 =	smul.u32 $0x1388, s6;
	s10 =	sshrl.u32 s4, $0x1;
	s6 =	sshll.u32 s6, $0x4  }
0x8: {  	s9 =	sadd.s32 s9, s3;
	s10 =	ssub.s32 s4, s10;
	s31 =	sand.u32 $0x70, s6  }
0x9: {  	s7 =	sshrl.u32 s7, $0x3;
	s6 =	sadd.s32 s31, s9;
	s9 =	simm.s32 $0x2800  }
0xa: {  	s8 =	sadd.s32 s7, s3;
	s5 =	sadd.s32 s5, s7;
	s7 =	simm.s32 $0x1  }
0xb: {  	s3 =	sadd.s32 $0x2000, s8;
	s4 =	sadd.s32 $0x13880, s5;
	s5 =	sadd.s32 $0x7000, s6  }
0xc: {  	v0 =	vimm.f32 $0.0e+00;
	s6 =	smax.u32 s10, $0x1;
	s8 =	simm.s32 $0x1400;
	s10 =	simm.s32 $0x80  }
.LBB2_1:
0xd: {  	[tilespmem:s2], [sflag:$0x1] =	stream.linear.gather [hbm4b:s3+s2], $0x1388, $0x38;
	[tilespmem:$0x3800] =	vst v63  }
0xe: {  	_ =	swait.ge [sflag:s7], $0x1388  }
0xf: {  	[sflag:s7] =	ssyncset.done $0x0  }
0x10: {  	[sflag:s7] =	ssyncadd.s32 $0xFFFFEC78  }
0x11: {  	[tilespmem:s8], [sflag:$0x1] =	stream.linear.gather [hbm4b:s4+s2], $0x1388, $0x38;
	[tilespmem:$0x3800] =	vst v63  }
0x12: {  	_ =	swait.ge [sflag:s7], $0x1388  }
0x13: {  	[sflag:s7] =	ssyncset.done $0x0  }
0x14: {  	s13 =	simm.s32 $0x0;
	s14 =	simm.s32 $0x200;
	[sflag:s7] =	ssyncadd.s32 $0xFFFFEC78  }
.LBB2_2:
0x15: {  	p0 =	sne.s32 s14, $0x3E00;
	[tilespmem:s13+$0x2870] =	vst v0  }
0x16: {  	[tilespmem:s13+$0x2800] =	vst v0  }
0x17: {  	[tilespmem:s13+$0x2810] =	vst v0  }
.Ltmp0:
0x18: {  	[tilespmem:s13+$0x2820] =	vst v0;
	(pc) =	sbr.rel @p0 .LBB2_2-.Ltmp0, $4  }
0x19: {  	[tilespmem:s13+$0x2830] =	vst v0  }
0x1a: {  	[tilespmem:s13+$0x2840] =	vst v0  }
0x1b: {  	[tilespmem:s13+$0x2850] =	vst v0  }
0x1c: {  	[tilespmem:s13+$0x2860] =	vst v0;
	s13 =	sshra.s32 s14, $0x2;
	s14 =	sadd.s32 $0x200, s14  }
0x1d: {  	[tilespmem:s13+$0x2870] =	vst v0  }
0x1e: {  	[tilespmem:s13+$0x2800] =	vst v0  }
0x1f: {  	[tilespmem:s13+$0x2810] =	vst v0  }
0x20: {  	[tilespmem:s13+$0x2820] =	vst v0  }
0x21: {  	[tilespmem:s13+$0x2830] =	vst v0  }
0x22: {  	[tilespmem:s13+$0x2840] =	vst v0  }
0x23: {  	[tilespmem:s13+$0x2850] =	vst v0  }
0x24: {  	[tilespmem:s13+$0x2860] =	vst v0;
	s14 =	simm.s32 $0x0;
	s13 =	simm.s32 $0x40  }
.LBB2_4:
0x25: {  	p0 =	sne.s32 s13, $0x4DC0;
	v1 =	vld [tilespmem:s14+$0x1400];
	_ =	sdelay $0x2  }
0x26: {  	v2 =	vld [tilespmem:s14+$0x0]  }
.Ltmp1:
0x27: {  	(pc) =	sbr.rel @p0 .LBB2_4-.Ltmp1, $2  }
0x28: {  	_ =	sdelay $0x2  }
0x29: {  	s14 =	sshra.s32 s13, $0x2;
	s13 =	sadd.s32 $0x40, s13;
	[tilespmem:v1+s9+$0x0] =	vst.idx.add.f32.msk $0xffff, v2  }
0x2a: {  	v1 =	vld [tilespmem:s14+$0x1400];
	_ =	sdelay $0x2  }
0x2b: {  	v2 =	vld [tilespmem:s14+$0x0];
	_ =	sdelay $0x4  }
0x2c: {  	[tilespmem:v1+s9+$0x0] =	vst.idx.add.f32.msk $0xffff, v2  }
0x2d: {  	v1 =	vld [tilespmem:$0x2780];
	_ =	sdelay $0x2  }
0x2e: {  	v2 =	vld [tilespmem:$0x1380];
	_ =	sdelay $0x2  }
0x2f: {  	s12 =	sadd.s32 $0x1, s12  }
0x30: {  	p0 =	sne.s32 s12, s6  }
.Ltmp2:
0x31: {  	[tilespmem:v1+s9+$0x0] =	vst.idx.add.f32.msk $0xff, v2;
	(pc) =	sbr.rel @p0 .LBB2_1-.Ltmp2, $4  }
0x32: {  	[hbm4b:s5+s10] =	stream.strided.scatter [tilespmem:s9], [sflag:$0x1], $0x1000, s11, s10, $0x38;
	[tilespmem:$0x3800] =	vst v63  }
0x33: {  	_ =	swait.ge [sflag:s7], $0x1000  }
0x34: {  	[sflag:s7] =	ssyncset.done $0x0  }
0x35: {  	[sflag:s7] =	ssyncadd.s32 $0xFFFFF000  }
0x36: {  	_ =	sfence.sel $0x180000  }
0x37: {  	[bflag:$0x0] =	sbarrier.arrive $0xFFFF  }
0x38: {  	p0 =	sne.s32 s0, $0x0;
	_ =	strace $0x90000053  }
0x39: {  	s0 =	sadd.s32 @!p0 $0x100000, s1;
	[bflag:$0x2] =	sbarrier.arrive $0xFFFF  }
0x3a: {  	[sflag:s0] =	ssyncadd.tile.s32 @!p0 $0x1;
	_ =	shalt  }
.Lfunc_end2:
_tile_overlayer_lowered:
.L_overlay_start_2:
0x3b: {  	(tag) =	ssettag $0x2  }
0x3c: {  	s0 =	rddreg [dreg:$0x0];
	s2 =	stileid.u32  }
0x3d: {  	s1 =	rddreg [dreg:$0x1];
	p0 =	sne.s32 s2, $0x0  }
0x3e: {  	s3 =	rddreg [dreg:$0x2];
	[bflag:$0x3] =	sbarrier.arrive $0xFFFF;
	s2 =	simm.s32 @!p0 $0x1C01  }
0x3f: {  	[timem:s3], [sflag:s2] =	dma.local @!p0 [hbm:s0], s1  }
0x40: {  	s0 =	simm.s32 @!p0 $0x1  }
0x41: {  	_ =	swait.ge @!p0 [sflag:s0], s1  }
0x42: {  	s1 =	ssub.s32 @!p0 $0x0, s1;
	[sflag:s0] =	ssyncset.done @!p0 $0x0  }
0x43: {  	[sflag:s0] =	ssyncadd.s32 @!p0 s1  }
0x44: {  	[bflag:$0x3] =	sbarrier.arrive $0xFFFF  }
0x45: {  	_ =	shalt  }

</sc_bundles>
